<compile_context>
chip_gen: v7x
topology: tpu7x:2x2x1
jax: 0.10.2.dev20260603
libtpu: 0.0.44.dev20260713+nightly
codegen_flags: <defaults>
</compile_context>

<pallas_src>
import jax
import jax.numpy as jnp
from jax import lax
from jax.experimental import pallas as pl
from jax.experimental.pallas import tpu as pltpu
from jax.experimental.pallas import tpu_sc as plsc

N_NODES = 10000
N_EDGES = 320000
D = 128

NC = 2
NS = 16
NPS = N_NODES // NC
DUMMY = 5000

CH = 32
NCHUNK = 640
SUP = 8
GE = SUP * CH
EDGES_PER_W = NCHUNK * CH
ACC_ROWS = 5008
ROWS_PER_TILE = 320
HROWS_PER_TILE = 624


def _mm_body(x_ref, w_ref, b_ref, h_ref):
    h_ref[...] = (
        jnp.dot(x_ref[...], w_ref[...], preferred_element_type=jnp.float32)
        + b_ref[...]
    )


def _combine_body(p_ref, o_ref):
    o_ref[...] = jnp.maximum(
        jnp.concatenate([p_ref[0, :NPS], p_ref[1, :NPS]], axis=0), 0.0
    )


def _sc_agg_body(h_hbm, sd_hbm, out_hbm,
                 htab, acc, sdbuf, dstix, buf0, buf1,
                 isem, gsem0, gsem1, ssem0, ssem1):
    cid = lax.axis_index("c")
    sid = lax.axis_index("s")
    lo = cid * NPS

    hbase = sid * HROWS_PER_TILE
    pltpu.sync_copy(h_hbm.at[pl.ds(hbase, HROWS_PER_TILE)],
                    htab.at[pl.ds(hbase, HROWS_PER_TILE)])

    @pl.when(sid == 0)
    def _():
        r = NS * HROWS_PER_TILE
        pltpu.sync_copy(h_hbm.at[pl.ds(r, N_NODES - r)],
                        htab.at[pl.ds(r, N_NODES - r)])

    zero = jnp.zeros((16,), jnp.float32)

    def _zrow(i, carry):
        for k in range(D // 16):
            buf0[i, pl.ds(k * 16, 16)] = zero
        return carry

    lax.fori_loop(0, CH, _zrow, 0)
    base = jnp.minimum(sid * ROWS_PER_TILE, ACC_ROWS - ROWS_PER_TILE)
    for t in range(ROWS_PER_TILE // CH):
        pltpu.sync_copy(buf0, acc.at[pl.ds(base + t * CH, CH)])
    plsc.subcore_barrier()

    def _gather(j, b, gsem):
        return pltpu.async_copy(
            htab.at[sdbuf.at[j // 4, pl.ds((j % 4) * CH, CH)]], b, gsem)

    def _scatter(j, b, ssem):
        return pltpu.async_copy(b, acc.at[dstix.at[j]], ssem, add=True)

    def _stage(i):
        return pltpu.async_copy(sd_hbm.at[sid, i], sdbuf, isem)

    NG = NCHUNK // SUP
    bufs = (buf0, buf1)
    gsems = (gsem0, gsem1)
    ssems = (ssem0, ssem1)

    _stage(0)

    def _super(i, carry):
        pltpu.make_async_copy(sd_hbm.at[sid, 0], sdbuf, isem).wait()
        for k in range(GE // 16):
            d = sdbuf[2 + k // 8, pl.ds((k % 8) * 16, 16)]
            loc = d - lo
            inr = jnp.logical_and(loc >= 0, loc < NPS)
            dstix[k // 2, pl.ds((k % 2) * 16, 16)] = jnp.where(
                inr, loc, DUMMY)
        gd = {0: _gather(0, buf0, gsem0)}
        sd = {}
        for c in range(SUP):
            b = c % 2
            ob = 1 - b
            if c >= 1:
                sd[ob].wait()
            if c + 1 < SUP:
                gd[ob] = _gather(c + 1, bufs[ob], gsems[ob])
            gd[b].wait()
            if c == SUP - 1:
                _stage(jnp.minimum(i + 1, NG - 1))
            sd[b] = _scatter(c, bufs[b], ssems[b])
        sd[(SUP - 1) % 2].wait()
        return carry

    lax.fori_loop(0, NG, _super, 0)
    pltpu.make_async_copy(sd_hbm.at[sid, 0], sdbuf, isem).wait()
    plsc.subcore_barrier()

    pltpu.sync_copy(acc.at[pl.ds(base, ROWS_PER_TILE)],
                    out_hbm.at[cid, pl.ds(base, ROWS_PER_TILE)])


def kernel(x, edge_index, W_disc, b_disc):
    h = pl.pallas_call(
        _mm_body,
        out_shape=jax.ShapeDtypeStruct((N_NODES, D), jnp.float32),
    )(x, W_disc, b_disc.reshape(1, D))

    src = edge_index[0].reshape(NS, N_EDGES // NS)
    dst = edge_index[1].reshape(NS, N_EDGES // NS)
    pad = EDGES_PER_W - N_EDGES // NS
    src_p = jnp.concatenate([src, jnp.zeros((NS, pad), jnp.int32)], axis=1)
    dst_p = jnp.concatenate(
        [dst, jnp.full((NS, pad), N_NODES, jnp.int32)], axis=1)
    sd_p = jnp.concatenate(
        [src_p.reshape(NS, -1, GE), dst_p.reshape(NS, -1, GE)], axis=2
    ).reshape(NS, -1, 4, 128)

    mesh = plsc.VectorSubcoreMesh(
        core_axis_name="c", subcore_axis_name="s",
        num_cores=NC, num_subcores=NS,
    )
    partial = pl.kernel(
        _sc_agg_body,
        out_type=jax.ShapeDtypeStruct((NC, ACC_ROWS, D), jnp.float32),
        mesh=mesh,
        scratch_types=[
            pltpu.VMEM_SHARED((N_NODES, D), jnp.float32),
            pltpu.VMEM_SHARED((ACC_ROWS, D), jnp.float32),
            pltpu.VMEM((4, 128), jnp.int32),
            pltpu.VMEM((SUP, CH), jnp.int32),
            pltpu.VMEM((CH, D), jnp.float32),
            pltpu.VMEM((CH, D), jnp.float32),
            pltpu.SemaphoreType.DMA,
            pltpu.SemaphoreType.DMA,
            pltpu.SemaphoreType.DMA,
            pltpu.SemaphoreType.DMA,
            pltpu.SemaphoreType.DMA,
        ],
    )(h, sd_p)

    out = pl.pallas_call(
        _combine_body,
        out_shape=jax.ShapeDtypeStruct((N_NODES, D), jnp.float32),
    )(partial)
    return out

# --- scband reference (transcript-rebuilt; emitter-appended) ---
"""Pipeline reference for scband-gcn-523986010432 (READ-ONLY COPY).

The authoritative reference and input builder live on the scoring server;
editing this copy changes nothing except your own understanding.
"""

import jax, jax.numpy as jnp
import numpy as np

N_NODES = 10000
N_EDGES = 320000
D_FEAT = 128


def setup_inputs(seed: int = 0) -> dict:
    key = jax.random.key(seed)
    k1, k2, k3 = jax.random.split(key, 3)
    x = jax.random.normal(k1, (N_NODES, D_FEAT), dtype=jnp.float32)
    edge_index = jax.random.randint(k2, (2, N_EDGES), 0, N_NODES, dtype=jnp.int32)
    # Learned parameters for the 'discovery' stage (node-wise linear transform)
    W_disc = jax.random.normal(k3, (D_FEAT, D_FEAT), dtype=jnp.float32) * (1.0 / np.sqrt(D_FEAT))
    b_disc = jnp.zeros((D_FEAT,), dtype=jnp.float32)
    return {"x": x, "edge_index": edge_index, "W_disc": W_disc, "b_disc": b_disc}


def reference(x, edge_index, W_disc, b_disc):
    # g.set_data('__hidden__', data)
    h = x
    # g.apply(self.discovery, '__hidden__')  -- node-wise linear transform
    h = h @ W_disc + b_disc
    # g.push(func=self.aggregation, data='__hidden__')
    # copy-src messages along edges, sum-aggregated at destination nodes
    src = edge_index[0]
    dst = edge_index[1]
    msgs = jnp.take(h, src, axis=0)                      # gather over edges
    h = jax.ops.segment_sum(msgs, dst, num_segments=N_NODES)  # scatter-add reduce
    # g.apply(self.inclusion, '__hidden__')  -- node-wise nonlinearity
    h = jax.nn.relu(h)
    # g.pop_data('__hidden__')
    return h

if __name__ == "__main__":
    import jax
    _d = setup_inputs()
    print(jax.jit(kernel)(*tuple(_d.values())))

</pallas_src>

<mosaic_0001>
#map = affine_map<(d0, d1) -> (0, 0)>
#map1 = affine_map<(d0, d1) -> (0, 0, 0, 0)>
#map2 = affine_map<(d0, d1) -> (0, 0, 0)>
module attributes {stable_mosaic.version = 14 : i64} {
  func.func @_sc_agg_body(%arg0: i32, %arg1: i32, %arg2: memref<10000x128xf32, #tpu.memory_space<hbm>>, %arg3: memref<16x80x4x128xi32, #tpu.memory_space<hbm>>, %arg4: memref<2x5008x128xf32, #tpu.memory_space<hbm>>, %arg5: memref<10000x128xf32, #tpu.memory_space<vmem_shared>>, %arg6: memref<5008x128xf32, #tpu.memory_space<vmem_shared>>, %arg7: memref<4x128xi32, #tpu.memory_space<vmem>>, %arg8: memref<8x32xi32, #tpu.memory_space<vmem>>, %arg9: memref<32x128xf32, #tpu.memory_space<vmem>>, %arg10: memref<32x128xf32, #tpu.memory_space<vmem>>, %arg11: memref<!tpu.dma_semaphore, #tpu.memory_space<semaphore_mem>>, %arg12: memref<!tpu.dma_semaphore, #tpu.memory_space<semaphore_mem>>, %arg13: memref<!tpu.dma_semaphore, #tpu.memory_space<semaphore_mem>>, %arg14: memref<!tpu.dma_semaphore, #tpu.memory_space<semaphore_mem>>, %arg15: memref<!tpu.dma_semaphore, #tpu.memory_space<semaphore_mem>>) attributes {dimension_semantics = [#tpu.dimension_semantics<core_parallel>, #tpu.dimension_semantics<subcore_parallel>], iteration_bounds = array<i64: 2, 16>, scalar_prefetch = 0 : i64, scratch_operands = 11 : i64, tpu.core_type = #tpu.core_type<sc_vector_subcore>, window_params = [{transform_indices = #map}, {transform_indices = #map1}, {transform_indices = #map2}]} {
    %mul3A = arith.constant 5000 : i32
    %mul3A_0 = arith.muli %arg0, %mul3A : i32
    %mul3A_1 = arith.constant 624 : i32
    %mul3A_2 = arith.muli %arg1, %mul3A_1 : i32
    "tpu.region"() ({
      %run_scoped3A = tpu.sem_alloc : memref<!tpu.dma_semaphore, #tpu.memory_space<semaphore_mem>>
      %dma_start3A_56 = arith.constant 0 : i32
      %dma_start3A_57 = tpu.memref_slice %arg5[%mul3A_2, %dma_start3A_56] : memref<10000x128xf32, #tpu.memory_space<vmem_shared>> -> memref<624x128xf32, #tpu.memory_space<vmem_shared>>
      %dma_start3A_58 = arith.constant 0 : i32
      %dma_start3A_59 = tpu.memref_slice %arg2[%mul3A_2, %dma_start3A_58] : memref<10000x128xf32, #tpu.memory_space<hbm>> -> memref<624x128xf32, #tpu.memory_space<hbm>>
      tpu.enqueue_dma source(%dma_start3A_59 : memref<624x128xf32, #tpu.memory_space<hbm>>) target(%dma_start3A_57 : memref<624x128xf32, #tpu.memory_space<vmem_shared>>) target_semaphore(%run_scoped3A : memref<!tpu.dma_semaphore, #tpu.memory_space<semaphore_mem>>)
      %dma_wait3A_60 = arith.constant 0 : i32
      %dma_wait3A_61 = tpu.memref_slice %arg5[%mul3A_2, %dma_wait3A_60] : memref<10000x128xf32, #tpu.memory_space<vmem_shared>> -> memref<624x128xf32, #tpu.memory_space<vmem_shared>>
      %dma_wait3A_62 = arith.constant 0 : i32
      %dma_wait3A_63 = tpu.memref_slice %arg2[%mul3A_2, %dma_wait3A_62] : memref<10000x128xf32, #tpu.memory_space<hbm>> -> memref<624x128xf32, #tpu.memory_space<hbm>>
      tpu.wait_dma2 semaphore(%run_scoped3A : memref<!tpu.dma_semaphore, #tpu.memory_space<semaphore_mem>>) src(%dma_wait3A_63 : memref<624x128xf32, #tpu.memory_space<hbm>>) dst(%dma_wait3A_61 : memref<624x128xf32, #tpu.memory_space<vmem_shared>>)
      tpu.yield
    }) : () -> ()
    %eq3A = arith.constant 0 : i32
    %eq3A_3 = arith.cmpi eq, %arg1, %eq3A : i32
    %convert_element_type3A = arith.extui %eq3A_3 : i1 to i32
    %cond3A = arith.constant 0 : i32
    %cond3A_4 = arith.cmpi ne, %convert_element_type3A, %cond3A : i32
    scf.if %cond3A_4 {
      "tpu.region"() ({
        %run_scoped3A = tpu.sem_alloc : memref<!tpu.dma_semaphore, #tpu.memory_space<semaphore_mem>>
        %dma_start3A_56 = arith.constant 9984 : i32
        %dma_start3A_57 = arith.constant 0 : i32
        %dma_start3A_58 = tpu.memref_slice %arg5[%dma_start3A_56, %dma_start3A_57] : memref<10000x128xf32, #tpu.memory_space<vmem_shared>> -> memref<16x128xf32, #tpu.memory_space<vmem_shared>>
        %dma_start3A_59 = arith.constant 9984 : i32
        %dma_start3A_60 = arith.constant 0 : i32
        %dma_start3A_61 = tpu.memref_slice %arg2[%dma_start3A_59, %dma_start3A_60] : memref<10000x128xf32, #tpu.memory_space<hbm>> -> memref<16x128xf32, #tpu.memory_space<hbm>>
        tpu.enqueue_dma source(%dma_start3A_61 : memref<16x128xf32, #tpu.memory_space<hbm>>) target(%dma_start3A_58 : memref<16x128xf32, #tpu.memory_space<vmem_shared>>) target_semaphore(%run_scoped3A : memref<!tpu.dma_semaphore, #tpu.memory_space<semaphore_mem>>)
        %dma_wait3A_62 = arith.constant 9984 : i32
        %dma_wait3A_63 = arith.constant 0 : i32
        %dma_wait3A_64 = tpu.memref_slice %arg5[%dma_wait3A_62, %dma_wait3A_63] : memref<10000x128xf32, #tpu.memory_space<vmem_shared>> -> memref<16x128xf32, #tpu.memory_space<vmem_shared>>
        %dma_wait3A_65 = arith.constant 9984 : i32
        %dma_wait3A_66 = arith.constant 0 : i32
        %dma_wait3A_67 = tpu.memref_slice %arg2[%dma_wait3A_65, %dma_wait3A_66] : memref<10000x128xf32, #tpu.memory_space<hbm>> -> memref<16x128xf32, #tpu.memory_space<hbm>>
        tpu.wait_dma2 semaphore(%run_scoped3A : memref<!tpu.dma_semaphore, #tpu.memory_space<semaphore_mem>>) src(%dma_wait3A_67 : memref<16x128xf32, #tpu.memory_space<hbm>>) dst(%dma_wait3A_64 : memref<16x128xf32, #tpu.memory_space<vmem_shared>>)
        tpu.yield
      }) : () -> ()
    } else {
    }
    %broadcast_in_dim3A = arith.constant 0.000000e+00 : f32
    %broadcast_in_dim3A_5 = vector.broadcast %broadcast_in_dim3A : f32 to vector<16xf32>
    %scan3A = arith.constant 0 : i32
    %scan3A_6 = arith.constant 0 : i32
    %scan3A_7 = arith.constant 32 : i32
    %scan3A_8 = arith.addi %scan3A_6, %scan3A_7 : i32
    %scan3A_9 = arith.constant 1 : i32
    scf.for %scan3A_56 = %scan3A_6 to %scan3A_8 step %scan3A_9  : i32 {
      %swap3A = arith.index_cast %scan3A_56 : i32 to index
      %swap3A_57 = arith.constant 0 : index
      %swap3A_58 = tpu.vector_load %arg9[%swap3A, %swap3A_57] {strides = array<i32>} : memref<32x128xf32, #tpu.memory_space<vmem>>, vector<1x16xf32>,
      %swap3A_59 = vector.shape_cast %swap3A_58 : vector<1x16xf32> to vector<16xf32>
      %swap3A_60 = vector.shape_cast %broadcast_in_dim3A_5 : vector<16xf32> to vector<1x16xf32>
      tpu.vector_store %arg9[%swap3A, %swap3A_57], %swap3A_60 {strides = array<i32>} : memref<32x128xf32, #tpu.memory_space<vmem>>, vector<1x16xf32>,
      %swap3A_61 = arith.index_cast %scan3A_56 : i32 to index
      %swap3A_62 = arith.constant 16 : index
      %swap3A_63 = tpu.vector_load %arg9[%swap3A_61, %swap3A_62] {strides = array<i32>} : memref<32x128xf32, #tpu.memory_space<vmem>>, vector<1x16xf32>,
      %swap3A_64 = vector.shape_cast %swap3A_63 : vector<1x16xf32> to vector<16xf32>
      %swap3A_65 = vector.shape_cast %broadcast_in_dim3A_5 : vector<16xf32> to vector<1x16xf32>
      tpu.vector_store %arg9[%swap3A_61, %swap3A_62], %swap3A_65 {strides = array<i32>} : memref<32x128xf32, #tpu.memory_space<vmem>>, vector<1x16xf32>,
      %swap3A_66 = arith.index_cast %scan3A_56 : i32 to index
      %swap3A_67 = arith.constant 32 : index
      %swap3A_68 = tpu.vector_load %arg9[%swap3A_66, %swap3A_67] {strides = array<i32>} : memref<32x128xf32, #tpu.memory_space<vmem>>, vector<1x16xf32>,
      %swap3A_69 = vector.shape_cast %swap3A_68 : vector<1x16xf32> to vector<16xf32>
      %swap3A_70 = vector.shape_cast %broadcast_in_dim3A_5 : vector<16xf32> to vector<1x16xf32>
      tpu.vector_store %arg9[%swap3A_66, %swap3A_67], %swap3A_70 {strides = array<i32>} : memref<32x128xf32, #tpu.memory_space<vmem>>, vector<1x16xf32>,
      %swap3A_71 = arith.index_cast %scan3A_56 : i32 to index
      %swap3A_72 = arith.constant 48 : index
      %swap3A_73 = tpu.vector_load %arg9[%swap3A_71, %swap3A_72] {strides = array<i32>} : memref<32x128xf32, #tpu.memory_space<vmem>>, vector<1x16xf32>,
      %swap3A_74 = vector.shape_cast %swap3A_73 : vector<1x16xf32> to vector<16xf32>
      %swap3A_75 = vector.shape_cast %broadcast_in_dim3A_5 : vector<16xf32> to vector<1x16xf32>
      tpu.vector_store %arg9[%swap3A_71, %swap3A_72], %swap3A_75 {strides = array<i32>} : memref<32x128xf32, #tpu.memory_space<vmem>>, vector<1x16xf32>,
      %swap3A_76 = arith.index_cast %scan3A_56 : i32 to index
      %swap3A_77 = arith.constant 64 : index
      %swap3A_78 = tpu.vector_load %arg9[%swap3A_76, %swap3A_77] {strides = array<i32>} : memref<32x128xf32, #tpu.memory_space<vmem>>, vector<1x16xf32>,
      %swap3A_79 = vector.shape_cast %swap3A_78 : vector<1x16xf32> to vector<16xf32>
      %swap3A_80 = vector.shape_cast %broadcast_in_dim3A_5 : vector<16xf32> to vector<1x16xf32>
      tpu.vector_store %arg9[%swap3A_76, %swap3A_77], %swap3A_80 {strides = array<i32>} : memref<32x128xf32, #tpu.memory_space<vmem>>, vector<1x16xf32>,
      %swap3A_81 = arith.index_cast %scan3A_56 : i32 to index
      %swap3A_82 = arith.constant 80 : index
      %swap3A_83 = tpu.vector_load %arg9[%swap3A_81, %swap3A_82] {strides = array<i32>} : memref<32x128xf32, #tpu.memory_space<vmem>>, vector<1x16xf32>,
      %swap3A_84 = vector.shape_cast %swap3A_83 : vector<1x16xf32> to vector<16xf32>
      %swap3A_85 = vector.shape_cast %broadcast_in_dim3A_5 : vector<16xf32> to vector<1x16xf32>
      tpu.vector_store %arg9[%swap3A_81, %swap3A_82], %swap3A_85 {strides = array<i32>} : memref<32x128xf32, #tpu.memory_space<vmem>>, vector<1x16xf32>,
      %swap3A_86 = arith.index_cast %scan3A_56 : i32 to index
      %swap3A_87 = arith.constant 96 : index
      %swap3A_88 = tpu.vector_load %arg9[%swap3A_86, %swap3A_87] {strides = array<i32>} : memref<32x128xf32, #tpu.memory_space<vmem>>, vector<1x16xf32>,
      %swap3A_89 = vector.shape_cast %swap3A_88 : vector<1x16xf32> to vector<16xf32>
      %swap3A_90 = vector.shape_cast %broadcast_in_dim3A_5 : vector<16xf32> to vector<1x16xf32>
      tpu.vector_store %arg9[%swap3A_86, %swap3A_87], %swap3A_90 {strides = array<i32>} : memref<32x128xf32, #tpu.memory_space<vmem>>, vector<1x16xf32>,
      %swap3A_91 = arith.index_cast %scan3A_56 : i32 to index
      %swap3A_92 = arith.constant 112 : index
      %swap3A_93 = tpu.vector_load %arg9[%swap3A_91, %swap3A_92] {strides = array<i32>} : memref<32x128xf32, #tpu.memory_space<vmem>>, vector<1x16xf32>,
      %swap3A_94 = vector.shape_cast %swap3A_93 : vector<1x16xf32> to vector<16xf32>
      %swap3A_95 = vector.shape_cast %broadcast_in_dim3A_5 : vector<16xf32> to vector<1x16xf32>
      tpu.vector_store %arg9[%swap3A_91, %swap3A_92], %swap3A_95 {strides = array<i32>} : memref<32x128xf32, #tpu.memory_space<vmem>>, vector<1x16xf32>,
    }
    %scan3A_10 = arith.constant 32 : i32
    %mul3A_11 = arith.constant 320 : i32
    %mul3A_12 = arith.muli %arg1, %mul3A_11 : i32
    %min3A = arith.constant 4688 : i32
    %min3A_13 = arith.minsi %mul3A_12, %min3A : i32
    %add3A = arith.constant 0 : i32
    %add3A_14 = arith.addi %min3A_13, %add3A : i32
    "tpu.region"() ({
      %run_scoped3A = tpu.sem_alloc : memref<!tpu.dma_semaphore, #tpu.memory_space<semaphore_mem>>
      %dma_start3A_56 = arith.constant 0 : i32
      %dma_start3A_57 = tpu.memref_slice %arg6[%add3A_14, %dma_start3A_56] : memref<5008x128xf32, #tpu.memory_space<vmem_shared>> -> memref<32x128xf32, #tpu.memory_space<vmem_shared>>
      %dma_start3A_58 = arith.constant 0 : i32
      %dma_start3A_59 = tpu.memref_slice %arg6[%add3A_14, %dma_start3A_58] : memref<5008x128xf32, #tpu.memory_space<vmem_shared>> -> memref<32x128xf32, #tpu.memory_space<vmem_shared>>
      tpu.enqueue_dma source(%arg9 : memref<32x128xf32, #tpu.memory_space<vmem>>) target(%dma_start3A_59 : memref<32x128xf32, #tpu.memory_space<vmem_shared>>) target_semaphore(%run_scoped3A : memref<!tpu.dma_semaphore, #tpu.memory_space<semaphore_mem>>)
      %dma_wait3A_60 = arith.constant 0 : i32
      %dma_wait3A_61 = tpu.memref_slice %arg6[%add3A_14, %dma_wait3A_60] : memref<5008x128xf32, #tpu.memory_space<vmem_shared>> -> memref<32x128xf32, #tpu.memory_space<vmem_shared>>
      %dma_wait3A_62 = arith.constant 0 : i32
      %dma_wait3A_63 = tpu.memref_slice %arg6[%add3A_14, %dma_wait3A_62] : memref<5008x128xf32, #tpu.memory_space<vmem_shared>> -> memref<32x128xf32, #tpu.memory_space<vmem_shared>>
      tpu.wait_dma2 semaphore(%run_scoped3A : memref<!tpu.dma_semaphore, #tpu.memory_space<semaphore_mem>>) src(%arg9 : memref<32x128xf32, #tpu.memory_space<vmem>>) dst(%dma_wait3A_63 : memref<32x128xf32, #tpu.memory_space<vmem_shared>>)
      tpu.yield
    }) : () -> ()
    %add3A_15 = arith.constant 32 : i32
    %add3A_16 = arith.addi %min3A_13, %add3A_15 : i32
    "tpu.region"() ({
      %run_scoped3A = tpu.sem_alloc : memref<!tpu.dma_semaphore, #tpu.memory_space<semaphore_mem>>
      %dma_start3A_56 = arith.constant 0 : i32
      %dma_start3A_57 = tpu.memref_slice %arg6[%add3A_16, %dma_start3A_56] : memref<5008x128xf32, #tpu.memory_space<vmem_shared>> -> memref<32x128xf32, #tpu.memory_space<vmem_shared>>
      %dma_start3A_58 = arith.constant 0 : i32
      %dma_start3A_59 = tpu.memref_slice %arg6[%add3A_16, %dma_start3A_58] : memref<5008x128xf32, #tpu.memory_space<vmem_shared>> -> memref<32x128xf32, #tpu.memory_space<vmem_shared>>
      tpu.enqueue_dma source(%arg9 : memref<32x128xf32, #tpu.memory_space<vmem>>) target(%dma_start3A_59 : memref<32x128xf32, #tpu.memory_space<vmem_shared>>) target_semaphore(%run_scoped3A : memref<!tpu.dma_semaphore, #tpu.memory_space<semaphore_mem>>)
      %dma_wait3A_60 = arith.constant 0 : i32
      %dma_wait3A_61 = tpu.memref_slice %arg6[%add3A_16, %dma_wait3A_60] : memref<5008x128xf32, #tpu.memory_space<vmem_shared>> -> memref<32x128xf32, #tpu.memory_space<vmem_shared>>
      %dma_wait3A_62 = arith.constant 0 : i32
      %dma_wait3A_63 = tpu.memref_slice %arg6[%add3A_16, %dma_wait3A_62] : memref<5008x128xf32, #tpu.memory_space<vmem_shared>> -> memref<32x128xf32, #tpu.memory_space<vmem_shared>>
      tpu.wait_dma2 semaphore(%run_scoped3A : memref<!tpu.dma_semaphore, #tpu.memory_space<semaphore_mem>>) src(%arg9 : memref<32x128xf32, #tpu.memory_space<vmem>>) dst(%dma_wait3A_63 : memref<32x128xf32, #tpu.memory_space<vmem_shared>>)
      tpu.yield
    }) : () -> ()
    %add3A_17 = arith.constant 64 : i32
    %add3A_18 = arith.addi %min3A_13, %add3A_17 : i32
    "tpu.region"() ({
      %run_scoped3A = tpu.sem_alloc : memref<!tpu.dma_semaphore, #tpu.memory_space<semaphore_mem>>
      %dma_start3A_56 = arith.constant 0 : i32
      %dma_start3A_57 = tpu.memref_slice %arg6[%add3A_18, %dma_start3A_56] : memref<5008x128xf32, #tpu.memory_space<vmem_shared>> -> memref<32x128xf32, #tpu.memory_space<vmem_shared>>
      %dma_start3A_58 = arith.constant 0 : i32
      %dma_start3A_59 = tpu.memref_slice %arg6[%add3A_18, %dma_start3A_58] : memref<5008x128xf32, #tpu.memory_space<vmem_shared>> -> memref<32x128xf32, #tpu.memory_space<vmem_shared>>
      tpu.enqueue_dma source(%arg9 : memref<32x128xf32, #tpu.memory_space<vmem>>) target(%dma_start3A_59 : memref<32x128xf32, #tpu.memory_space<vmem_shared>>) target_semaphore(%run_scoped3A : memref<!tpu.dma_semaphore, #tpu.memory_space<semaphore_mem>>)
      %dma_wait3A_60 = arith.constant 0 : i32
      %dma_wait3A_61 = tpu.memref_slice %arg6[%add3A_18, %dma_wait3A_60] : memref<5008x128xf32, #tpu.memory_space<vmem_shared>> -> memref<32x128xf32, #tpu.memory_space<vmem_shared>>
      %dma_wait3A_62 = arith.constant 0 : i32
      %dma_wait3A_63 = tpu.memref_slice %arg6[%add3A_18, %dma_wait3A_62] : memref<5008x128xf32, #tpu.memory_space<vmem_shared>> -> memref<32x128xf32, #tpu.memory_space<vmem_shared>>
      tpu.wait_dma2 semaphore(%run_scoped3A : memref<!tpu.dma_semaphore, #tpu.memory_space<semaphore_mem>>) src(%arg9 : memref<32x128xf32, #tpu.memory_space<vmem>>) dst(%dma_wait3A_63 : memref<32x128xf32, #tpu.memory_space<vmem_shared>>)
      tpu.yield
    }) : () -> ()
    %add3A_19 = arith.constant 96 : i32
    %add3A_20 = arith.addi %min3A_13, %add3A_19 : i32
    "tpu.region"() ({
      %run_scoped3A = tpu.sem_alloc : memref<!tpu.dma_semaphore, #tpu.memory_space<semaphore_mem>>
      %dma_start3A_56 = arith.constant 0 : i32
      %dma_start3A_57 = tpu.memref_slice %arg6[%add3A_20, %dma_start3A_56] : memref<5008x128xf32, #tpu.memory_space<vmem_shared>> -> memref<32x128xf32, #tpu.memory_space<vmem_shared>>
      %dma_start3A_58 = arith.constant 0 : i32
      %dma_start3A_59 = tpu.memref_slice %arg6[%add3A_20, %dma_start3A_58] : memref<5008x128xf32, #tpu.memory_space<vmem_shared>> -> memref<32x128xf32, #tpu.memory_space<vmem_shared>>
      tpu.enqueue_dma source(%arg9 : memref<32x128xf32, #tpu.memory_space<vmem>>) target(%dma_start3A_59 : memref<32x128xf32, #tpu.memory_space<vmem_shared>>) target_semaphore(%run_scoped3A : memref<!tpu.dma_semaphore, #tpu.memory_space<semaphore_mem>>)
      %dma_wait3A_60 = arith.constant 0 : i32
      %dma_wait3A_61 = tpu.memref_slice %arg6[%add3A_20, %dma_wait3A_60] : memref<5008x128xf32, #tpu.memory_space<vmem_shared>> -> memref<32x128xf32, #tpu.memory_space<vmem_shared>>
      %dma_wait3A_62 = arith.constant 0 : i32
      %dma_wait3A_63 = tpu.memref_slice %arg6[%add3A_20, %dma_wait3A_62] : memref<5008x128xf32, #tpu.memory_space<vmem_shared>> -> memref<32x128xf32, #tpu.memory_space<vmem_shared>>
      tpu.wait_dma2 semaphore(%run_scoped3A : memref<!tpu.dma_semaphore, #tpu.memory_space<semaphore_mem>>) src(%arg9 : memref<32x128xf32, #tpu.memory_space<vmem>>) dst(%dma_wait3A_63 : memref<32x128xf32, #tpu.memory_space<vmem_shared>>)
      tpu.yield
    }) : () -> ()
    %add3A_21 = arith.constant 128 : i32
    %add3A_22 = arith.addi %min3A_13, %add3A_21 : i32
    "tpu.region"() ({
      %run_scoped3A = tpu.sem_alloc : memref<!tpu.dma_semaphore, #tpu.memory_space<semaphore_mem>>
      %dma_start3A_56 = arith.constant 0 : i32
      %dma_start3A_57 = tpu.memref_slice %arg6[%add3A_22, %dma_start3A_56] : memref<5008x128xf32, #tpu.memory_space<vmem_shared>> -> memref<32x128xf32, #tpu.memory_space<vmem_shared>>
      %dma_start3A_58 = arith.constant 0 : i32
      %dma_start3A_59 = tpu.memref_slice %arg6[%add3A_22, %dma_start3A_58] : memref<5008x128xf32, #tpu.memory_space<vmem_shared>> -> memref<32x128xf32, #tpu.memory_space<vmem_shared>>
      tpu.enqueue_dma source(%arg9 : memref<32x128xf32, #tpu.memory_space<vmem>>) target(%dma_start3A_59 : memref<32x128xf32, #tpu.memory_space<vmem_shared>>) target_semaphore(%run_scoped3A : memref<!tpu.dma_semaphore, #tpu.memory_space<semaphore_mem>>)
      %dma_wait3A_60 = arith.constant 0 : i32
      %dma_wait3A_61 = tpu.memref_slice %arg6[%add3A_22, %dma_wait3A_60] : memref<5008x128xf32, #tpu.memory_space<vmem_shared>> -> memref<32x128xf32, #tpu.memory_space<vmem_shared>>
      %dma_wait3A_62 = arith.constant 0 : i32
      %dma_wait3A_63 = tpu.memref_slice %arg6[%add3A_22, %dma_wait3A_62] : memref<5008x128xf32, #tpu.memory_space<vmem_shared>> -> memref<32x128xf32, #tpu.memory_space<vmem_shared>>
      tpu.wait_dma2 semaphore(%run_scoped3A : memref<!tpu.dma_semaphore, #tpu.memory_space<semaphore_mem>>) src(%arg9 : memref<32x128xf32, #tpu.memory_space<vmem>>) dst(%dma_wait3A_63 : memref<32x128xf32, #tpu.memory_space<vmem_shared>>)
      tpu.yield
    }) : () -> ()
    %add3A_23 = arith.constant 160 : i32
    %add3A_24 = arith.addi %min3A_13, %add3A_23 : i32
    "tpu.region"() ({
      %run_scoped3A = tpu.sem_alloc : memref<!tpu.dma_semaphore, #tpu.memory_space<semaphore_mem>>
      %dma_start3A_56 = arith.constant 0 : i32
      %dma_start3A_57 = tpu.memref_slice %arg6[%add3A_24, %dma_start3A_56] : memref<5008x128xf32, #tpu.memory_space<vmem_shared>> -> memref<32x128xf32, #tpu.memory_space<vmem_shared>>
      %dma_start3A_58 = arith.constant 0 : i32
      %dma_start3A_59 = tpu.memref_slice %arg6[%add3A_24, %dma_start3A_58] : memref<5008x128xf32, #tpu.memory_space<vmem_shared>> -> memref<32x128xf32, #tpu.memory_space<vmem_shared>>
      tpu.enqueue_dma source(%arg9 : memref<32x128xf32, #tpu.memory_space<vmem>>) target(%dma_start3A_59 : memref<32x128xf32, #tpu.memory_space<vmem_shared>>) target_semaphore(%run_scoped3A : memref<!tpu.dma_semaphore, #tpu.memory_space<semaphore_mem>>)
      %dma_wait3A_60 = arith.constant 0 : i32
      %dma_wait3A_61 = tpu.memref_slice %arg6[%add3A_24, %dma_wait3A_60] : memref<5008x128xf32, #tpu.memory_space<vmem_shared>> -> memref<32x128xf32, #tpu.memory_space<vmem_shared>>
      %dma_wait3A_62 = arith.constant 0 : i32
      %dma_wait3A_63 = tpu.memref_slice %arg6[%add3A_24, %dma_wait3A_62] : memref<5008x128xf32, #tpu.memory_space<vmem_shared>> -> memref<32x128xf32, #tpu.memory_space<vmem_shared>>
      tpu.wait_dma2 semaphore(%run_scoped3A : memref<!tpu.dma_semaphore, #tpu.memory_space<semaphore_mem>>) src(%arg9 : memref<32x128xf32, #tpu.memory_space<vmem>>) dst(%dma_wait3A_63 : memref<32x128xf32, #tpu.memory_space<vmem_shared>>)
      tpu.yield
    }) : () -> ()
    %add3A_25 = arith.constant 192 : i32
    %add3A_26 = arith.addi %min3A_13, %add3A_25 : i32
    "tpu.region"() ({
      %run_scoped3A = tpu.sem_alloc : memref<!tpu.dma_semaphore, #tpu.memory_space<semaphore_mem>>
      %dma_start3A_56 = arith.constant 0 : i32
      %dma_start3A_57 = tpu.memref_slice %arg6[%add3A_26, %dma_start3A_56] : memref<5008x128xf32, #tpu.memory_space<vmem_shared>> -> memref<32x128xf32, #tpu.memory_space<vmem_shared>>
      %dma_start3A_58 = arith.constant 0 : i32
      %dma_start3A_59 = tpu.memref_slice %arg6[%add3A_26, %dma_start3A_58] : memref<5008x128xf32, #tpu.memory_space<vmem_shared>> -> memref<32x128xf32, #tpu.memory_space<vmem_shared>>
      tpu.enqueue_dma source(%arg9 : memref<32x128xf32, #tpu.memory_space<vmem>>) target(%dma_start3A_59 : memref<32x128xf32, #tpu.memory_space<vmem_shared>>) target_semaphore(%run_scoped3A : memref<!tpu.dma_semaphore, #tpu.memory_space<semaphore_mem>>)
      %dma_wait3A_60 = arith.constant 0 : i32
      %dma_wait3A_61 = tpu.memref_slice %arg6[%add3A_26, %dma_wait3A_60] : memref<5008x128xf32, #tpu.memory_space<vmem_shared>> -> memref<32x128xf32, #tpu.memory_space<vmem_shared>>
      %dma_wait3A_62 = arith.constant 0 : i32
      %dma_wait3A_63 = tpu.memref_slice %arg6[%add3A_26, %dma_wait3A_62] : memref<5008x128xf32, #tpu.memory_space<vmem_shared>> -> memref<32x128xf32, #tpu.memory_space<vmem_shared>>
      tpu.wait_dma2 semaphore(%run_scoped3A : memref<!tpu.dma_semaphore, #tpu.memory_space<semaphore_mem>>) src(%arg9 : memref<32x128xf32, #tpu.memory_space<vmem>>) dst(%dma_wait3A_63 : memref<32x128xf32, #tpu.memory_space<vmem_shared>>)
      tpu.yield
    }) : () -> ()
    %add3A_27 = arith.constant 224 : i32
    %add3A_28 = arith.addi %min3A_13, %add3A_27 : i32
    "tpu.region"() ({
      %run_scoped3A = tpu.sem_alloc : memref<!tpu.dma_semaphore, #tpu.memory_space<semaphore_mem>>
      %dma_start3A_56 = arith.constant 0 : i32
      %dma_start3A_57 = tpu.memref_slice %arg6[%add3A_28, %dma_start3A_56] : memref<5008x128xf32, #tpu.memory_space<vmem_shared>> -> memref<32x128xf32, #tpu.memory_space<vmem_shared>>
      %dma_start3A_58 = arith.constant 0 : i32
      %dma_start3A_59 = tpu.memref_slice %arg6[%add3A_28, %dma_start3A_58] : memref<5008x128xf32, #tpu.memory_space<vmem_shared>> -> memref<32x128xf32, #tpu.memory_space<vmem_shared>>
      tpu.enqueue_dma source(%arg9 : memref<32x128xf32, #tpu.memory_space<vmem>>) target(%dma_start3A_59 : memref<32x128xf32, #tpu.memory_space<vmem_shared>>) target_semaphore(%run_scoped3A : memref<!tpu.dma_semaphore, #tpu.memory_space<semaphore_mem>>)
      %dma_wait3A_60 = arith.constant 0 : i32
      %dma_wait3A_61 = tpu.memref_slice %arg6[%add3A_28, %dma_wait3A_60] : memref<5008x128xf32, #tpu.memory_space<vmem_shared>> -> memref<32x128xf32, #tpu.memory_space<vmem_shared>>
      %dma_wait3A_62 = arith.constant 0 : i32
      %dma_wait3A_63 = tpu.memref_slice %arg6[%add3A_28, %dma_wait3A_62] : memref<5008x128xf32, #tpu.memory_space<vmem_shared>> -> memref<32x128xf32, #tpu.memory_space<vmem_shared>>
      tpu.wait_dma2 semaphore(%run_scoped3A : memref<!tpu.dma_semaphore, #tpu.memory_space<semaphore_mem>>) src(%arg9 : memref<32x128xf32, #tpu.memory_space<vmem>>) dst(%dma_wait3A_63 : memref<32x128xf32, #tpu.memory_space<vmem_shared>>)
      tpu.yield
    }) : () -> ()
    %add3A_29 = arith.constant 256 : i32
    %add3A_30 = arith.addi %min3A_13, %add3A_29 : i32
    "tpu.region"() ({
      %run_scoped3A = tpu.sem_alloc : memref<!tpu.dma_semaphore, #tpu.memory_space<semaphore_mem>>
      %dma_start3A_56 = arith.constant 0 : i32
      %dma_start3A_57 = tpu.memref_slice %arg6[%add3A_30, %dma_start3A_56] : memref<5008x128xf32, #tpu.memory_space<vmem_shared>> -> memref<32x128xf32, #tpu.memory_space<vmem_shared>>
      %dma_start3A_58 = arith.constant 0 : i32
      %dma_start3A_59 = tpu.memref_slice %arg6[%add3A_30, %dma_start3A_58] : memref<5008x128xf32, #tpu.memory_space<vmem_shared>> -> memref<32x128xf32, #tpu.memory_space<vmem_shared>>
      tpu.enqueue_dma source(%arg9 : memref<32x128xf32, #tpu.memory_space<vmem>>) target(%dma_start3A_59 : memref<32x128xf32, #tpu.memory_space<vmem_shared>>) target_semaphore(%run_scoped3A : memref<!tpu.dma_semaphore, #tpu.memory_space<semaphore_mem>>)
      %dma_wait3A_60 = arith.constant 0 : i32
      %dma_wait3A_61 = tpu.memref_slice %arg6[%add3A_30, %dma_wait3A_60] : memref<5008x128xf32, #tpu.memory_space<vmem_shared>> -> memref<32x128xf32, #tpu.memory_space<vmem_shared>>
      %dma_wait3A_62 = arith.constant 0 : i32
      %dma_wait3A_63 = tpu.memref_slice %arg6[%add3A_30, %dma_wait3A_62] : memref<5008x128xf32, #tpu.memory_space<vmem_shared>> -> memref<32x128xf32, #tpu.memory_space<vmem_shared>>
      tpu.wait_dma2 semaphore(%run_scoped3A : memref<!tpu.dma_semaphore, #tpu.memory_space<semaphore_mem>>) src(%arg9 : memref<32x128xf32, #tpu.memory_space<vmem>>) dst(%dma_wait3A_63 : memref<32x128xf32, #tpu.memory_space<vmem_shared>>)
      tpu.yield
    }) : () -> ()
    %add3A_31 = arith.constant 288 : i32
    %add3A_32 = arith.addi %min3A_13, %add3A_31 : i32
    "tpu.region"() ({
      %run_scoped3A = tpu.sem_alloc : memref<!tpu.dma_semaphore, #tpu.memory_space<semaphore_mem>>
      %dma_start3A_56 = arith.constant 0 : i32
      %dma_start3A_57 = tpu.memref_slice %arg6[%add3A_32, %dma_start3A_56] : memref<5008x128xf32, #tpu.memory_space<vmem_shared>> -> memref<32x128xf32, #tpu.memory_space<vmem_shared>>
      %dma_start3A_58 = arith.constant 0 : i32
      %dma_start3A_59 = tpu.memref_slice %arg6[%add3A_32, %dma_start3A_58] : memref<5008x128xf32, #tpu.memory_space<vmem_shared>> -> memref<32x128xf32, #tpu.memory_space<vmem_shared>>
      tpu.enqueue_dma source(%arg9 : memref<32x128xf32, #tpu.memory_space<vmem>>) target(%dma_start3A_59 : memref<32x128xf32, #tpu.memory_space<vmem_shared>>) target_semaphore(%run_scoped3A : memref<!tpu.dma_semaphore, #tpu.memory_space<semaphore_mem>>)
      %dma_wait3A_60 = arith.constant 0 : i32
      %dma_wait3A_61 = tpu.memref_slice %arg6[%add3A_32, %dma_wait3A_60] : memref<5008x128xf32, #tpu.memory_space<vmem_shared>> -> memref<32x128xf32, #tpu.memory_space<vmem_shared>>
      %dma_wait3A_62 = arith.constant 0 : i32
      %dma_wait3A_63 = tpu.memref_slice %arg6[%add3A_32, %dma_wait3A_62] : memref<5008x128xf32, #tpu.memory_space<vmem_shared>> -> memref<32x128xf32, #tpu.memory_space<vmem_shared>>
      tpu.wait_dma2 semaphore(%run_scoped3A : memref<!tpu.dma_semaphore, #tpu.memory_space<semaphore_mem>>) src(%arg9 : memref<32x128xf32, #tpu.memory_space<vmem>>) dst(%dma_wait3A_63 : memref<32x128xf32, #tpu.memory_space<vmem_shared>>)
      tpu.yield
    }) : () -> ()
    %barrier3A = arith.constant 0 : index
    tpu.barrier barrier_id(%barrier3A)
    %dma_start3A = arith.constant 0 : i32
    %dma_start3A_33 = arith.constant 0 : i32
    %dma_start3A_34 = arith.constant 0 : i32
    %dma_start3A_35 = tpu.memref_slice %arg3[%arg1, %dma_start3A, %dma_start3A_33, %dma_start3A_34] : memref<16x80x4x128xi32, #tpu.memory_space<hbm>> -> memref<1x1x4x128xi32, #tpu.memory_space<hbm>>
    %dma_start3A_36 = tpu.memref_squeeze %dma_start3A_35 : memref<1x1x4x128xi32, #tpu.memory_space<hbm>> -> memref<4x128xi32, #tpu.memory_space<hbm>>
    %dma_start3A_37 = arith.constant 0 : i32
    %dma_start3A_38 = arith.constant 0 : i32
    %dma_start3A_39 = tpu.memref_slice %arg3[%arg1, %dma_start3A, %dma_start3A_37, %dma_start3A_38] : memref<16x80x4x128xi32, #tpu.memory_space<hbm>> -> memref<1x1x4x128xi32, #tpu.memory_space<hbm>>
    %dma_start3A_40 = tpu.memref_squeeze %dma_start3A_39 : memref<1x1x4x128xi32, #tpu.memory_space<hbm>> -> memref<4x128xi32, #tpu.memory_space<hbm>>
    tpu.enqueue_dma source(%dma_start3A_40 : memref<4x128xi32, #tpu.memory_space<hbm>>) target(%arg7 : memref<4x128xi32, #tpu.memory_space<vmem>>) target_semaphore(%arg11 : memref<!tpu.dma_semaphore, #tpu.memory_space<semaphore_mem>>)
    %scan3A_41 = arith.constant 0 : i32
    %scan3A_42 = arith.constant 0 : i32
    %scan3A_43 = arith.constant 80 : i32
    %scan3A_44 = arith.addi %scan3A_42, %scan3A_43 : i32
    %scan3A_45 = arith.constant 1 : i32
    scf.for %scan3A_56 = %scan3A_42 to %scan3A_44 step %scan3A_45  : i32 {
      %dma_wait3A_57 = arith.constant 0 : i32
      %dma_wait3A_58 = arith.constant 0 : i32
      %dma_wait3A_59 = arith.constant 0 : i32
      %dma_wait3A_60 = tpu.memref_slice %arg3[%arg1, %dma_wait3A_57, %dma_wait3A_58, %dma_wait3A_59] : memref<16x80x4x128xi32, #tpu.memory_space<hbm>> -> memref<1x1x4x128xi32, #tpu.memory_space<hbm>>
      %dma_wait3A_61 = tpu.memref_squeeze %dma_wait3A_60 : memref<1x1x4x128xi32, #tpu.memory_space<hbm>> -> memref<4x128xi32, #tpu.memory_space<hbm>>
      %dma_wait3A_62 = arith.constant 0 : i32
      %dma_wait3A_63 = arith.constant 0 : i32
      %dma_wait3A_64 = tpu.memref_slice %arg3[%arg1, %dma_wait3A_57, %dma_wait3A_62, %dma_wait3A_63] : memref<16x80x4x128xi32, #tpu.memory_space<hbm>> -> memref<1x1x4x128xi32, #tpu.memory_space<hbm>>
      %dma_wait3A_65 = tpu.memref_squeeze %dma_wait3A_64 : memref<1x1x4x128xi32, #tpu.memory_space<hbm>> -> memref<4x128xi32, #tpu.memory_space<hbm>>
      tpu.wait_dma2 semaphore(%arg11 : memref<!tpu.dma_semaphore, #tpu.memory_space<semaphore_mem>>) src(%dma_wait3A_65 : memref<4x128xi32, #tpu.memory_space<hbm>>) dst(%arg7 : memref<4x128xi32, #tpu.memory_space<vmem>>)
      %get3A = arith.constant 2 : i32
      %get3A_66 = arith.index_cast %get3A : i32 to index
      %get3A_67 = arith.constant 0 : index
      %get3A_68 = tpu.vector_load %arg7[%get3A_66, %get3A_67] {strides = array<i32>} : memref<4x128xi32, #tpu.memory_space<vmem>>, vector<1x16xi32>,
      %get3A_69 = vector.shape_cast %get3A_68 : vector<1x16xi32> to vector<16xi32>
      %sub3A = vector.broadcast %mul3A_0 : i32 to vector<16xi32>
      %sub3A_70 = arith.subi %get3A_69, %sub3A : vector<16xi32>
      %ge3A = arith.constant 0 : i32
      %ge3A_71 = vector.broadcast %ge3A : i32 to vector<16xi32>
      %ge3A_72 = arith.cmpi sge, %sub3A_70, %ge3A_71 : vector<16xi32>
      %lt3A = arith.constant 5000 : i32
      %lt3A_73 = vector.broadcast %lt3A : i32 to vector<16xi32>
      %lt3A_74 = arith.cmpi slt, %sub3A_70, %lt3A_73 : vector<16xi32>
      %and3A = arith.andi %ge3A_72, %lt3A_74 : vector<16xi1>
      %jit3A = arith.constant 5000 : i32
      %broadcast_in_dim3A_75 = vector.broadcast %jit3A : i32 to vector<16xi32>
      %select_n3A = arith.select %and3A, %sub3A_70, %broadcast_in_dim3A_75 : vector<16xi1>, vector<16xi32>
      %swap3A = arith.constant 0 : i32
      %swap3A_76 = arith.index_cast %swap3A : i32 to index
      %swap3A_77 = arith.constant 0 : index
      %swap3A_78 = tpu.vector_load %arg8[%swap3A_76, %swap3A_77] {strides = array<i32>} : memref<8x32xi32, #tpu.memory_space<vmem>>, vector<1x16xi32>,
      %swap3A_79 = vector.shape_cast %swap3A_78 : vector<1x16xi32> to vector<16xi32>
      %swap3A_80 = vector.shape_cast %select_n3A : vector<16xi32> to vector<1x16xi32>
      tpu.vector_store %arg8[%swap3A_76, %swap3A_77], %swap3A_80 {strides = array<i32>} : memref<8x32xi32, #tpu.memory_space<vmem>>, vector<1x16xi32>,
      %get3A_81 = arith.constant 2 : i32
      %get3A_82 = arith.index_cast %get3A_81 : i32 to index
      %get3A_83 = arith.constant 16 : index
      %get3A_84 = tpu.vector_load %arg7[%get3A_82, %get3A_83] {strides = array<i32>} : memref<4x128xi32, #tpu.memory_space<vmem>>, vector<1x16xi32>,
      %get3A_85 = vector.shape_cast %get3A_84 : vector<1x16xi32> to vector<16xi32>
      %sub3A_86 = vector.broadcast %mul3A_0 : i32 to vector<16xi32>
      %sub3A_87 = arith.subi %get3A_85, %sub3A_86 : vector<16xi32>
      %ge3A_88 = arith.constant 0 : i32
      %ge3A_89 = vector.broadcast %ge3A_88 : i32 to vector<16xi32>
      %ge3A_90 = arith.cmpi sge, %sub3A_87, %ge3A_89 : vector<16xi32>
      %lt3A_91 = arith.constant 5000 : i32
      %lt3A_92 = vector.broadcast %lt3A_91 : i32 to vector<16xi32>
      %lt3A_93 = arith.cmpi slt, %sub3A_87, %lt3A_92 : vector<16xi32>
      %and3A_94 = arith.andi %ge3A_90, %lt3A_93 : vector<16xi1>
      %jit3A_95 = arith.constant 5000 : i32
      %broadcast_in_dim3A_96 = vector.broadcast %jit3A_95 : i32 to vector<16xi32>
      %select_n3A_97 = arith.select %and3A_94, %sub3A_87, %broadcast_in_dim3A_96 : vector<16xi1>, vector<16xi32>
      %swap3A_98 = arith.constant 0 : i32
      %swap3A_99 = arith.index_cast %swap3A_98 : i32 to index
      %swap3A_100 = arith.constant 16 : index
      %swap3A_101 = tpu.vector_load %arg8[%swap3A_99, %swap3A_100] {strides = array<i32>} : memref<8x32xi32, #tpu.memory_space<vmem>>, vector<1x16xi32>,
      %swap3A_102 = vector.shape_cast %swap3A_101 : vector<1x16xi32> to vector<16xi32>
      %swap3A_103 = vector.shape_cast %select_n3A_97 : vector<16xi32> to vector<1x16xi32>
      tpu.vector_store %arg8[%swap3A_99, %swap3A_100], %swap3A_103 {strides = array<i32>} : memref<8x32xi32, #tpu.memory_space<vmem>>, vector<1x16xi32>,
      %get3A_104 = arith.constant 2 : i32
      %get3A_105 = arith.index_cast %get3A_104 : i32 to index
      %get3A_106 = arith.constant 32 : index
      %get3A_107 = tpu.vector_load %arg7[%get3A_105, %get3A_106] {strides = array<i32>} : memref<4x128xi32, #tpu.memory_space<vmem>>, vector<1x16xi32>,
      %get3A_108 = vector.shape_cast %get3A_107 : vector<1x16xi32> to vector<16xi32>
      %sub3A_109 = vector.broadcast %mul3A_0 : i32 to vector<16xi32>
      %sub3A_110 = arith.subi %get3A_108, %sub3A_109 : vector<16xi32>
      %ge3A_111 = arith.constant 0 : i32
      %ge3A_112 = vector.broadcast %ge3A_111 : i32 to vector<16xi32>
      %ge3A_113 = arith.cmpi sge, %sub3A_110, %ge3A_112 : vector<16xi32>
      %lt3A_114 = arith.constant 5000 : i32
      %lt3A_115 = vector.broadcast %lt3A_114 : i32 to vector<16xi32>
      %lt3A_116 = arith.cmpi slt, %sub3A_110, %lt3A_115 : vector<16xi32>
      %and3A_117 = arith.andi %ge3A_113, %lt3A_116 : vector<16xi1>
      %jit3A_118 = arith.constant 5000 : i32
      %broadcast_in_dim3A_119 = vector.broadcast %jit3A_118 : i32 to vector<16xi32>
      %select_n3A_120 = arith.select %and3A_117, %sub3A_110, %broadcast_in_dim3A_119 : vector<16xi1>, vector<16xi32>
      %swap3A_121 = arith.constant 1 : i32
      %swap3A_122 = arith.index_cast %swap3A_121 : i32 to index
      %swap3A_123 = arith.constant 0 : index
      %swap3A_124 = tpu.vector_load %arg8[%swap3A_122, %swap3A_123] {strides = array<i32>} : memref<8x32xi32, #tpu.memory_space<vmem>>, vector<1x16xi32>,
      %swap3A_125 = vector.shape_cast %swap3A_124 : vector<1x16xi32> to vector<16xi32>
      %swap3A_126 = vector.shape_cast %select_n3A_120 : vector<16xi32> to vector<1x16xi32>
      tpu.vector_store %arg8[%swap3A_122, %swap3A_123], %swap3A_126 {strides = array<i32>} : memref<8x32xi32, #tpu.memory_space<vmem>>, vector<1x16xi32>,
      %get3A_127 = arith.constant 2 : i32
      %get3A_128 = arith.index_cast %get3A_127 : i32 to index
      %get3A_129 = arith.constant 48 : index
      %get3A_130 = tpu.vector_load %arg7[%get3A_128, %get3A_129] {strides = array<i32>} : memref<4x128xi32, #tpu.memory_space<vmem>>, vector<1x16xi32>,
      %get3A_131 = vector.shape_cast %get3A_130 : vector<1x16xi32> to vector<16xi32>
      %sub3A_132 = vector.broadcast %mul3A_0 : i32 to vector<16xi32>
      %sub3A_133 = arith.subi %get3A_131, %sub3A_132 : vector<16xi32>
      %ge3A_134 = arith.constant 0 : i32
      %ge3A_135 = vector.broadcast %ge3A_134 : i32 to vector<16xi32>
      %ge3A_136 = arith.cmpi sge, %sub3A_133, %ge3A_135 : vector<16xi32>
      %lt3A_137 = arith.constant 5000 : i32
      %lt3A_138 = vector.broadcast %lt3A_137 : i32 to vector<16xi32>
      %lt3A_139 = arith.cmpi slt, %sub3A_133, %lt3A_138 : vector<16xi32>
      %and3A_140 = arith.andi %ge3A_136, %lt3A_139 : vector<16xi1>
      %jit3A_141 = arith.constant 5000 : i32
      %broadcast_in_dim3A_142 = vector.broadcast %jit3A_141 : i32 to vector<16xi32>
      %select_n3A_143 = arith.select %and3A_140, %sub3A_133, %broadcast_in_dim3A_142 : vector<16xi1>, vector<16xi32>
      %swap3A_144 = arith.constant 1 : i32
      %swap3A_145 = arith.index_cast %swap3A_144 : i32 to index
      %swap3A_146 = arith.constant 16 : index
      %swap3A_147 = tpu.vector_load %arg8[%swap3A_145, %swap3A_146] {strides = array<i32>} : memref<8x32xi32, #tpu.memory_space<vmem>>, vector<1x16xi32>,
      %swap3A_148 = vector.shape_cast %swap3A_147 : vector<1x16xi32> to vector<16xi32>
      %swap3A_149 = vector.shape_cast %select_n3A_143 : vector<16xi32> to vector<1x16xi32>
      tpu.vector_store %arg8[%swap3A_145, %swap3A_146], %swap3A_149 {strides = array<i32>} : memref<8x32xi32, #tpu.memory_space<vmem>>, vector<1x16xi32>,
      %get3A_150 = arith.constant 2 : i32
      %get3A_151 = arith.index_cast %get3A_150 : i32 to index
      %get3A_152 = arith.constant 64 : index
      %get3A_153 = tpu.vector_load %arg7[%get3A_151, %get3A_152] {strides = array<i32>} : memref<4x128xi32, #tpu.memory_space<vmem>>, vector<1x16xi32>,
      %get3A_154 = vector.shape_cast %get3A_153 : vector<1x16xi32> to vector<16xi32>
      %sub3A_155 = vector.broadcast %mul3A_0 : i32 to vector<16xi32>
      %sub3A_156 = arith.subi %get3A_154, %sub3A_155 : vector<16xi32>
      %ge3A_157 = arith.constant 0 : i32
      %ge3A_158 = vector.broadcast %ge3A_157 : i32 to vector<16xi32>
      %ge3A_159 = arith.cmpi sge, %sub3A_156, %ge3A_158 : vector<16xi32>
      %lt3A_160 = arith.constant 5000 : i32
      %lt3A_161 = vector.broadcast %lt3A_160 : i32 to vector<16xi32>
      %lt3A_162 = arith.cmpi slt, %sub3A_156, %lt3A_161 : vector<16xi32>
      %and3A_163 = arith.andi %ge3A_159, %lt3A_162 : vector<16xi1>
      %jit3A_164 = arith.constant 5000 : i32
      %broadcast_in_dim3A_165 = vector.broadcast %jit3A_164 : i32 to vector<16xi32>
      %select_n3A_166 = arith.select %and3A_163, %sub3A_156, %broadcast_in_dim3A_165 : vector<16xi1>, vector<16xi32>
      %swap3A_167 = arith.constant 2 : i32
      %swap3A_168 = arith.index_cast %swap3A_167 : i32 to index
      %swap3A_169 = arith.constant 0 : index
      %swap3A_170 = tpu.vector_load %arg8[%swap3A_168, %swap3A_169] {strides = array<i32>} : memref<8x32xi32, #tpu.memory_space<vmem>>, vector<1x16xi32>,
      %swap3A_171 = vector.shape_cast %swap3A_170 : vector<1x16xi32> to vector<16xi32>
      %swap3A_172 = vector.shape_cast %select_n3A_166 : vector<16xi32> to vector<1x16xi32>
      tpu.vector_store %arg8[%swap3A_168, %swap3A_169], %swap3A_172 {strides = array<i32>} : memref<8x32xi32, #tpu.memory_space<vmem>>, vector<1x16xi32>,
      %get3A_173 = arith.constant 2 : i32
      %get3A_174 = arith.index_cast %get3A_173 : i32 to index
      %get3A_175 = arith.constant 80 : index
      %get3A_176 = tpu.vector_load %arg7[%get3A_174, %get3A_175] {strides = array<i32>} : memref<4x128xi32, #tpu.memory_space<vmem>>, vector<1x16xi32>,
      %get3A_177 = vector.shape_cast %get3A_176 : vector<1x16xi32> to vector<16xi32>
      %sub3A_178 = vector.broadcast %mul3A_0 : i32 to vector<16xi32>
      %sub3A_179 = arith.subi %get3A_177, %sub3A_178 : vector<16xi32>
      %ge3A_180 = arith.constant 0 : i32
      %ge3A_181 = vector.broadcast %ge3A_180 : i32 to vector<16xi32>
      %ge3A_182 = arith.cmpi sge, %sub3A_179, %ge3A_181 : vector<16xi32>
      %lt3A_183 = arith.constant 5000 : i32
      %lt3A_184 = vector.broadcast %lt3A_183 : i32 to vector<16xi32>
      %lt3A_185 = arith.cmpi slt, %sub3A_179, %lt3A_184 : vector<16xi32>
      %and3A_186 = arith.andi %ge3A_182, %lt3A_185 : vector<16xi1>
      %jit3A_187 = arith.constant 5000 : i32
      %broadcast_in_dim3A_188 = vector.broadcast %jit3A_187 : i32 to vector<16xi32>
      %select_n3A_189 = arith.select %and3A_186, %sub3A_179, %broadcast_in_dim3A_188 : vector<16xi1>, vector<16xi32>
      %swap3A_190 = arith.constant 2 : i32
      %swap3A_191 = arith.index_cast %swap3A_190 : i32 to index
      %swap3A_192 = arith.constant 16 : index
      %swap3A_193 = tpu.vector_load %arg8[%swap3A_191, %swap3A_192] {strides = array<i32>} : memref<8x32xi32, #tpu.memory_space<vmem>>, vector<1x16xi32>,
      %swap3A_194 = vector.shape_cast %swap3A_193 : vector<1x16xi32> to vector<16xi32>
      %swap3A_195 = vector.shape_cast %select_n3A_189 : vector<16xi32> to vector<1x16xi32>
      tpu.vector_store %arg8[%swap3A_191, %swap3A_192], %swap3A_195 {strides = array<i32>} : memref<8x32xi32, #tpu.memory_space<vmem>>, vector<1x16xi32>,
      %get3A_196 = arith.constant 2 : i32
      %get3A_197 = arith.index_cast %get3A_196 : i32 to index
      %get3A_198 = arith.constant 96 : index
      %get3A_199 = tpu.vector_load %arg7[%get3A_197, %get3A_198] {strides = array<i32>} : memref<4x128xi32, #tpu.memory_space<vmem>>, vector<1x16xi32>,
      %get3A_200 = vector.shape_cast %get3A_199 : vector<1x16xi32> to vector<16xi32>
      %sub3A_201 = vector.broadcast %mul3A_0 : i32 to vector<16xi32>
      %sub3A_202 = arith.subi %get3A_200, %sub3A_201 : vector<16xi32>
      %ge3A_203 = arith.constant 0 : i32
      %ge3A_204 = vector.broadcast %ge3A_203 : i32 to vector<16xi32>
      %ge3A_205 = arith.cmpi sge, %sub3A_202, %ge3A_204 : vector<16xi32>
      %lt3A_206 = arith.constant 5000 : i32
      %lt3A_207 = vector.broadcast %lt3A_206 : i32 to vector<16xi32>
      %lt3A_208 = arith.cmpi slt, %sub3A_202, %lt3A_207 : vector<16xi32>
      %and3A_209 = arith.andi %ge3A_205, %lt3A_208 : vector<16xi1>
      %jit3A_210 = arith.constant 5000 : i32
      %broadcast_in_dim3A_211 = vector.broadcast %jit3A_210 : i32 to vector<16xi32>
      %select_n3A_212 = arith.select %and3A_209, %sub3A_202, %broadcast_in_dim3A_211 : vector<16xi1>, vector<16xi32>
      %swap3A_213 = arith.constant 3 : i32
      %swap3A_214 = arith.index_cast %swap3A_213 : i32 to index
      %swap3A_215 = arith.constant 0 : index
      %swap3A_216 = tpu.vector_load %arg8[%swap3A_214, %swap3A_215] {strides = array<i32>} : memref<8x32xi32, #tpu.memory_space<vmem>>, vector<1x16xi32>,
      %swap3A_217 = vector.shape_cast %swap3A_216 : vector<1x16xi32> to vector<16xi32>
      %swap3A_218 = vector.shape_cast %select_n3A_212 : vector<16xi32> to vector<1x16xi32>
      tpu.vector_store %arg8[%swap3A_214, %swap3A_215], %swap3A_218 {strides = array<i32>} : memref<8x32xi32, #tpu.memory_space<vmem>>, vector<1x16xi32>,
      %get3A_219 = arith.constant 2 : i32
      %get3A_220 = arith.index_cast %get3A_219 : i32 to index
      %get3A_221 = arith.constant 112 : index
      %get3A_222 = tpu.vector_load %arg7[%get3A_220, %get3A_221] {strides = array<i32>} : memref<4x128xi32, #tpu.memory_space<vmem>>, vector<1x16xi32>,
      %get3A_223 = vector.shape_cast %get3A_222 : vector<1x16xi32> to vector<16xi32>
      %sub3A_224 = vector.broadcast %mul3A_0 : i32 to vector<16xi32>
      %sub3A_225 = arith.subi %get3A_223, %sub3A_224 : vector<16xi32>
      %ge3A_226 = arith.constant 0 : i32
      %ge3A_227 = vector.broadcast %ge3A_226 : i32 to vector<16xi32>
      %ge3A_228 = arith.cmpi sge, %sub3A_225, %ge3A_227 : vector<16xi32>
      %lt3A_229 = arith.constant 5000 : i32
      %lt3A_230 = vector.broadcast %lt3A_229 : i32 to vector<16xi32>
      %lt3A_231 = arith.cmpi slt, %sub3A_225, %lt3A_230 : vector<16xi32>
      %and3A_232 = arith.andi %ge3A_228, %lt3A_231 : vector<16xi1>
      %jit3A_233 = arith.constant 5000 : i32
      %broadcast_in_dim3A_234 = vector.broadcast %jit3A_233 : i32 to vector<16xi32>
      %select_n3A_235 = arith.select %and3A_232, %sub3A_225, %broadcast_in_dim3A_234 : vector<16xi1>, vector<16xi32>
      %swap3A_236 = arith.constant 3 : i32
      %swap3A_237 = arith.index_cast %swap3A_236 : i32 to index
      %swap3A_238 = arith.constant 16 : index
      %swap3A_239 = tpu.vector_load %arg8[%swap3A_237, %swap3A_238] {strides = array<i32>} : memref<8x32xi32, #tpu.memory_space<vmem>>, vector<1x16xi32>,
      %swap3A_240 = vector.shape_cast %swap3A_239 : vector<1x16xi32> to vector<16xi32>
      %swap3A_241 = vector.shape_cast %select_n3A_235 : vector<16xi32> to vector<1x16xi32>
      tpu.vector_store %arg8[%swap3A_237, %swap3A_238], %swap3A_241 {strides = array<i32>} : memref<8x32xi32, #tpu.memory_space<vmem>>, vector<1x16xi32>,
      %get3A_242 = arith.constant 3 : i32
      %get3A_243 = arith.index_cast %get3A_242 : i32 to index
      %get3A_244 = arith.constant 0 : index
      %get3A_245 = tpu.vector_load %arg7[%get3A_243, %get3A_244] {strides = array<i32>} : memref<4x128xi32, #tpu.memory_space<vmem>>, vector<1x16xi32>,
      %get3A_246 = vector.shape_cast %get3A_245 : vector<1x16xi32> to vector<16xi32>
      %sub3A_247 = vector.broadcast %mul3A_0 : i32 to vector<16xi32>
      %sub3A_248 = arith.subi %get3A_246, %sub3A_247 : vector<16xi32>
      %ge3A_249 = arith.constant 0 : i32
      %ge3A_250 = vector.broadcast %ge3A_249 : i32 to vector<16xi32>
      %ge3A_251 = arith.cmpi sge, %sub3A_248, %ge3A_250 : vector<16xi32>
      %lt3A_252 = arith.constant 5000 : i32
      %lt3A_253 = vector.broadcast %lt3A_252 : i32 to vector<16xi32>
      %lt3A_254 = arith.cmpi slt, %sub3A_248, %lt3A_253 : vector<16xi32>
      %and3A_255 = arith.andi %ge3A_251, %lt3A_254 : vector<16xi1>
      %jit3A_256 = arith.constant 5000 : i32
      %broadcast_in_dim3A_257 = vector.broadcast %jit3A_256 : i32 to vector<16xi32>
      %select_n3A_258 = arith.select %and3A_255, %sub3A_248, %broadcast_in_dim3A_257 : vector<16xi1>, vector<16xi32>
      %swap3A_259 = arith.constant 4 : i32
      %swap3A_260 = arith.index_cast %swap3A_259 : i32 to index
      %swap3A_261 = arith.constant 0 : index
      %swap3A_262 = tpu.vector_load %arg8[%swap3A_260, %swap3A_261] {strides = array<i32>} : memref<8x32xi32, #tpu.memory_space<vmem>>, vector<1x16xi32>,
      %swap3A_263 = vector.shape_cast %swap3A_262 : vector<1x16xi32> to vector<16xi32>
      %swap3A_264 = vector.shape_cast %select_n3A_258 : vector<16xi32> to vector<1x16xi32>
      tpu.vector_store %arg8[%swap3A_260, %swap3A_261], %swap3A_264 {strides = array<i32>} : memref<8x32xi32, #tpu.memory_space<vmem>>, vector<1x16xi32>,
      %get3A_265 = arith.constant 3 : i32
      %get3A_266 = arith.index_cast %get3A_265 : i32 to index
      %get3A_267 = arith.constant 16 : index
      %get3A_268 = tpu.vector_load %arg7[%get3A_266, %get3A_267] {strides = array<i32>} : memref<4x128xi32, #tpu.memory_space<vmem>>, vector<1x16xi32>,
      %get3A_269 = vector.shape_cast %get3A_268 : vector<1x16xi32> to vector<16xi32>
      %sub3A_270 = vector.broadcast %mul3A_0 : i32 to vector<16xi32>
      %sub3A_271 = arith.subi %get3A_269, %sub3A_270 : vector<16xi32>
      %ge3A_272 = arith.constant 0 : i32
      %ge3A_273 = vector.broadcast %ge3A_272 : i32 to vector<16xi32>
      %ge3A_274 = arith.cmpi sge, %sub3A_271, %ge3A_273 : vector<16xi32>
      %lt3A_275 = arith.constant 5000 : i32
      %lt3A_276 = vector.broadcast %lt3A_275 : i32 to vector<16xi32>
      %lt3A_277 = arith.cmpi slt, %sub3A_271, %lt3A_276 : vector<16xi32>
      %and3A_278 = arith.andi %ge3A_274, %lt3A_277 : vector<16xi1>
      %jit3A_279 = arith.constant 5000 : i32
      %broadcast_in_dim3A_280 = vector.broadcast %jit3A_279 : i32 to vector<16xi32>
      %select_n3A_281 = arith.select %and3A_278, %sub3A_271, %broadcast_in_dim3A_280 : vector<16xi1>, vector<16xi32>
      %swap3A_282 = arith.constant 4 : i32
      %swap3A_283 = arith.index_cast %swap3A_282 : i32 to index
      %swap3A_284 = arith.constant 16 : index
      %swap3A_285 = tpu.vector_load %arg8[%swap3A_283, %swap3A_284] {strides = array<i32>} : memref<8x32xi32, #tpu.memory_space<vmem>>, vector<1x16xi32>,
      %swap3A_286 = vector.shape_cast %swap3A_285 : vector<1x16xi32> to vector<16xi32>
      %swap3A_287 = vector.shape_cast %select_n3A_281 : vector<16xi32> to vector<1x16xi32>
      tpu.vector_store %arg8[%swap3A_283, %swap3A_284], %swap3A_287 {strides = array<i32>} : memref<8x32xi32, #tpu.memory_space<vmem>>, vector<1x16xi32>,
      %get3A_288 = arith.constant 3 : i32
      %get3A_289 = arith.index_cast %get3A_288 : i32 to index
      %get3A_290 = arith.constant 32 : index
      %get3A_291 = tpu.vector_load %arg7[%get3A_289, %get3A_290] {strides = array<i32>} : memref<4x128xi32, #tpu.memory_space<vmem>>, vector<1x16xi32>,
      %get3A_292 = vector.shape_cast %get3A_291 : vector<1x16xi32> to vector<16xi32>
      %sub3A_293 = vector.broadcast %mul3A_0 : i32 to vector<16xi32>
      %sub3A_294 = arith.subi %get3A_292, %sub3A_293 : vector<16xi32>
      %ge3A_295 = arith.constant 0 : i32
      %ge3A_296 = vector.broadcast %ge3A_295 : i32 to vector<16xi32>
      %ge3A_297 = arith.cmpi sge, %sub3A_294, %ge3A_296 : vector<16xi32>
      %lt3A_298 = arith.constant 5000 : i32
      %lt3A_299 = vector.broadcast %lt3A_298 : i32 to vector<16xi32>
      %lt3A_300 = arith.cmpi slt, %sub3A_294, %lt3A_299 : vector<16xi32>
      %and3A_301 = arith.andi %ge3A_297, %lt3A_300 : vector<16xi1>
      %jit3A_302 = arith.constant 5000 : i32
      %broadcast_in_dim3A_303 = vector.broadcast %jit3A_302 : i32 to vector<16xi32>
      %select_n3A_304 = arith.select %and3A_301, %sub3A_294, %broadcast_in_dim3A_303 : vector<16xi1>, vector<16xi32>
      %swap3A_305 = arith.constant 5 : i32
      %swap3A_306 = arith.index_cast %swap3A_305 : i32 to index
      %swap3A_307 = arith.constant 0 : index
      %swap3A_308 = tpu.vector_load %arg8[%swap3A_306, %swap3A_307] {strides = array<i32>} : memref<8x32xi32, #tpu.memory_space<vmem>>, vector<1x16xi32>,
      %swap3A_309 = vector.shape_cast %swap3A_308 : vector<1x16xi32> to vector<16xi32>
      %swap3A_310 = vector.shape_cast %select_n3A_304 : vector<16xi32> to vector<1x16xi32>
      tpu.vector_store %arg8[%swap3A_306, %swap3A_307], %swap3A_310 {strides = array<i32>} : memref<8x32xi32, #tpu.memory_space<vmem>>, vector<1x16xi32>,
      %get3A_311 = arith.constant 3 : i32
      %get3A_312 = arith.index_cast %get3A_311 : i32 to index
      %get3A_313 = arith.constant 48 : index
      %get3A_314 = tpu.vector_load %arg7[%get3A_312, %get3A_313] {strides = array<i32>} : memref<4x128xi32, #tpu.memory_space<vmem>>, vector<1x16xi32>,
      %get3A_315 = vector.shape_cast %get3A_314 : vector<1x16xi32> to vector<16xi32>
      %sub3A_316 = vector.broadcast %mul3A_0 : i32 to vector<16xi32>
      %sub3A_317 = arith.subi %get3A_315, %sub3A_316 : vector<16xi32>
      %ge3A_318 = arith.constant 0 : i32
      %ge3A_319 = vector.broadcast %ge3A_318 : i32 to vector<16xi32>
      %ge3A_320 = arith.cmpi sge, %sub3A_317, %ge3A_319 : vector<16xi32>
      %lt3A_321 = arith.constant 5000 : i32
      %lt3A_322 = vector.broadcast %lt3A_321 : i32 to vector<16xi32>
      %lt3A_323 = arith.cmpi slt, %sub3A_317, %lt3A_322 : vector<16xi32>
      %and3A_324 = arith.andi %ge3A_320, %lt3A_323 : vector<16xi1>
      %jit3A_325 = arith.constant 5000 : i32
      %broadcast_in_dim3A_326 = vector.broadcast %jit3A_325 : i32 to vector<16xi32>
      %select_n3A_327 = arith.select %and3A_324, %sub3A_317, %broadcast_in_dim3A_326 : vector<16xi1>, vector<16xi32>
      %swap3A_328 = arith.constant 5 : i32
      %swap3A_329 = arith.index_cast %swap3A_328 : i32 to index
      %swap3A_330 = arith.constant 16 : index
      %swap3A_331 = tpu.vector_load %arg8[%swap3A_329, %swap3A_330] {strides = array<i32>} : memref<8x32xi32, #tpu.memory_space<vmem>>, vector<1x16xi32>,
      %swap3A_332 = vector.shape_cast %swap3A_331 : vector<1x16xi32> to vector<16xi32>
      %swap3A_333 = vector.shape_cast %select_n3A_327 : vector<16xi32> to vector<1x16xi32>
      tpu.vector_store %arg8[%swap3A_329, %swap3A_330], %swap3A_333 {strides = array<i32>} : memref<8x32xi32, #tpu.memory_space<vmem>>, vector<1x16xi32>,
      %get3A_334 = arith.constant 3 : i32
      %get3A_335 = arith.index_cast %get3A_334 : i32 to index
      %get3A_336 = arith.constant 64 : index
      %get3A_337 = tpu.vector_load %arg7[%get3A_335, %get3A_336] {strides = array<i32>} : memref<4x128xi32, #tpu.memory_space<vmem>>, vector<1x16xi32>,
      %get3A_338 = vector.shape_cast %get3A_337 : vector<1x16xi32> to vector<16xi32>
      %sub3A_339 = vector.broadcast %mul3A_0 : i32 to vector<16xi32>
      %sub3A_340 = arith.subi %get3A_338, %sub3A_339 : vector<16xi32>
      %ge3A_341 = arith.constant 0 : i32
      %ge3A_342 = vector.broadcast %ge3A_341 : i32 to vector<16xi32>
      %ge3A_343 = arith.cmpi sge, %sub3A_340, %ge3A_342 : vector<16xi32>
      %lt3A_344 = arith.constant 5000 : i32
      %lt3A_345 = vector.broadcast %lt3A_344 : i32 to vector<16xi32>
      %lt3A_346 = arith.cmpi slt, %sub3A_340, %lt3A_345 : vector<16xi32>
      %and3A_347 = arith.andi %ge3A_343, %lt3A_346 : vector<16xi1>
      %jit3A_348 = arith.constant 5000 : i32
      %broadcast_in_dim3A_349 = vector.broadcast %jit3A_348 : i32 to vector<16xi32>
      %select_n3A_350 = arith.select %and3A_347, %sub3A_340, %broadcast_in_dim3A_349 : vector<16xi1>, vector<16xi32>
      %swap3A_351 = arith.constant 6 : i32
      %swap3A_352 = arith.index_cast %swap3A_351 : i32 to index
      %swap3A_353 = arith.constant 0 : index
      %swap3A_354 = tpu.vector_load %arg8[%swap3A_352, %swap3A_353] {strides = array<i32>} : memref<8x32xi32, #tpu.memory_space<vmem>>, vector<1x16xi32>,
      %swap3A_355 = vector.shape_cast %swap3A_354 : vector<1x16xi32> to vector<16xi32>
      %swap3A_356 = vector.shape_cast %select_n3A_350 : vector<16xi32> to vector<1x16xi32>
      tpu.vector_store %arg8[%swap3A_352, %swap3A_353], %swap3A_356 {strides = array<i32>} : memref<8x32xi32, #tpu.memory_space<vmem>>, vector<1x16xi32>,
      %get3A_357 = arith.constant 3 : i32
      %get3A_358 = arith.index_cast %get3A_357 : i32 to index
      %get3A_359 = arith.constant 80 : index
      %get3A_360 = tpu.vector_load %arg7[%get3A_358, %get3A_359] {strides = array<i32>} : memref<4x128xi32, #tpu.memory_space<vmem>>, vector<1x16xi32>,
      %get3A_361 = vector.shape_cast %get3A_360 : vector<1x16xi32> to vector<16xi32>
      %sub3A_362 = vector.broadcast %mul3A_0 : i32 to vector<16xi32>
      %sub3A_363 = arith.subi %get3A_361, %sub3A_362 : vector<16xi32>
      %ge3A_364 = arith.constant 0 : i32
      %ge3A_365 = vector.broadcast %ge3A_364 : i32 to vector<16xi32>
      %ge3A_366 = arith.cmpi sge, %sub3A_363, %ge3A_365 : vector<16xi32>
      %lt3A_367 = arith.constant 5000 : i32
      %lt3A_368 = vector.broadcast %lt3A_367 : i32 to vector<16xi32>
      %lt3A_369 = arith.cmpi slt, %sub3A_363, %lt3A_368 : vector<16xi32>
      %and3A_370 = arith.andi %ge3A_366, %lt3A_369 : vector<16xi1>
      %jit3A_371 = arith.constant 5000 : i32
      %broadcast_in_dim3A_372 = vector.broadcast %jit3A_371 : i32 to vector<16xi32>
      %select_n3A_373 = arith.select %and3A_370, %sub3A_363, %broadcast_in_dim3A_372 : vector<16xi1>, vector<16xi32>
      %swap3A_374 = arith.constant 6 : i32
      %swap3A_375 = arith.index_cast %swap3A_374 : i32 to index
      %swap3A_376 = arith.constant 16 : index
      %swap3A_377 = tpu.vector_load %arg8[%swap3A_375, %swap3A_376] {strides = array<i32>} : memref<8x32xi32, #tpu.memory_space<vmem>>, vector<1x16xi32>,
      %swap3A_378 = vector.shape_cast %swap3A_377 : vector<1x16xi32> to vector<16xi32>
      %swap3A_379 = vector.shape_cast %select_n3A_373 : vector<16xi32> to vector<1x16xi32>
      tpu.vector_store %arg8[%swap3A_375, %swap3A_376], %swap3A_379 {strides = array<i32>} : memref<8x32xi32, #tpu.memory_space<vmem>>, vector<1x16xi32>,
      %get3A_380 = arith.constant 3 : i32
      %get3A_381 = arith.index_cast %get3A_380 : i32 to index
      %get3A_382 = arith.constant 96 : index
      %get3A_383 = tpu.vector_load %arg7[%get3A_381, %get3A_382] {strides = array<i32>} : memref<4x128xi32, #tpu.memory_space<vmem>>, vector<1x16xi32>,
      %get3A_384 = vector.shape_cast %get3A_383 : vector<1x16xi32> to vector<16xi32>
      %sub3A_385 = vector.broadcast %mul3A_0 : i32 to vector<16xi32>
      %sub3A_386 = arith.subi %get3A_384, %sub3A_385 : vector<16xi32>
      %ge3A_387 = arith.constant 0 : i32
      %ge3A_388 = vector.broadcast %ge3A_387 : i32 to vector<16xi32>
      %ge3A_389 = arith.cmpi sge, %sub3A_386, %ge3A_388 : vector<16xi32>
      %lt3A_390 = arith.constant 5000 : i32
      %lt3A_391 = vector.broadcast %lt3A_390 : i32 to vector<16xi32>
      %lt3A_392 = arith.cmpi slt, %sub3A_386, %lt3A_391 : vector<16xi32>
      %and3A_393 = arith.andi %ge3A_389, %lt3A_392 : vector<16xi1>
      %jit3A_394 = arith.constant 5000 : i32
      %broadcast_in_dim3A_395 = vector.broadcast %jit3A_394 : i32 to vector<16xi32>
      %select_n3A_396 = arith.select %and3A_393, %sub3A_386, %broadcast_in_dim3A_395 : vector<16xi1>, vector<16xi32>
      %swap3A_397 = arith.constant 7 : i32
      %swap3A_398 = arith.index_cast %swap3A_397 : i32 to index
      %swap3A_399 = arith.constant 0 : index
      %swap3A_400 = tpu.vector_load %arg8[%swap3A_398, %swap3A_399] {strides = array<i32>} : memref<8x32xi32, #tpu.memory_space<vmem>>, vector<1x16xi32>,
      %swap3A_401 = vector.shape_cast %swap3A_400 : vector<1x16xi32> to vector<16xi32>
      %swap3A_402 = vector.shape_cast %select_n3A_396 : vector<16xi32> to vector<1x16xi32>
      tpu.vector_store %arg8[%swap3A_398, %swap3A_399], %swap3A_402 {strides = array<i32>} : memref<8x32xi32, #tpu.memory_space<vmem>>, vector<1x16xi32>,
      %get3A_403 = arith.constant 3 : i32
      %get3A_404 = arith.index_cast %get3A_403 : i32 to index
      %get3A_405 = arith.constant 112 : index
      %get3A_406 = tpu.vector_load %arg7[%get3A_404, %get3A_405] {strides = array<i32>} : memref<4x128xi32, #tpu.memory_space<vmem>>, vector<1x16xi32>,
      %get3A_407 = vector.shape_cast %get3A_406 : vector<1x16xi32> to vector<16xi32>
      %sub3A_408 = vector.broadcast %mul3A_0 : i32 to vector<16xi32>
      %sub3A_409 = arith.subi %get3A_407, %sub3A_408 : vector<16xi32>
      %ge3A_410 = arith.constant 0 : i32
      %ge3A_411 = vector.broadcast %ge3A_410 : i32 to vector<16xi32>
      %ge3A_412 = arith.cmpi sge, %sub3A_409, %ge3A_411 : vector<16xi32>
      %lt3A_413 = arith.constant 5000 : i32
      %lt3A_414 = vector.broadcast %lt3A_413 : i32 to vector<16xi32>
      %lt3A_415 = arith.cmpi slt, %sub3A_409, %lt3A_414 : vector<16xi32>
      %and3A_416 = arith.andi %ge3A_412, %lt3A_415 : vector<16xi1>
      %jit3A_417 = arith.constant 5000 : i32
      %broadcast_in_dim3A_418 = vector.broadcast %jit3A_417 : i32 to vector<16xi32>
      %select_n3A_419 = arith.select %and3A_416, %sub3A_409, %broadcast_in_dim3A_418 : vector<16xi1>, vector<16xi32>
      %swap3A_420 = arith.constant 7 : i32
      %swap3A_421 = arith.index_cast %swap3A_420 : i32 to index
      %swap3A_422 = arith.constant 16 : index
      %swap3A_423 = tpu.vector_load %arg8[%swap3A_421, %swap3A_422] {strides = array<i32>} : memref<8x32xi32, #tpu.memory_space<vmem>>, vector<1x16xi32>,
      %swap3A_424 = vector.shape_cast %swap3A_423 : vector<1x16xi32> to vector<16xi32>
      %swap3A_425 = vector.shape_cast %select_n3A_419 : vector<16xi32> to vector<1x16xi32>
      tpu.vector_store %arg8[%swap3A_421, %swap3A_422], %swap3A_425 {strides = array<i32>} : memref<8x32xi32, #tpu.memory_space<vmem>>, vector<1x16xi32>,
      %dma_start3A_426 = arith.constant 0 : i32
      %dma_start3A_427 = arith.constant 0 : i32
      %dma_start3A_428 = tpu.memref_slice %arg7[%dma_start3A_426, %dma_start3A_427] : memref<4x128xi32, #tpu.memory_space<vmem>> -> memref<1x32xi32, #tpu.memory_space<vmem>>
      %dma_start3A_429 = tpu.memref_squeeze %dma_start3A_428 : memref<1x32xi32, #tpu.memory_space<vmem>> -> memref<32xi32, #tpu.memory_space<vmem>>
      %dma_start3A_430 = arith.constant 0 : i32
      %dma_start3A_431 = arith.constant 0 : i32
      %dma_start3A_432 = tpu.memref_slice %arg5[%dma_start3A_430, %dma_start3A_431] : memref<10000x128xf32, #tpu.memory_space<vmem_shared>> -> memref<10000x128xf32, #tpu.memory_space<vmem_shared>>
      tpu.enqueue_indirect_dma source(%dma_start3A_432 : memref<10000x128xf32, #tpu.memory_space<vmem_shared>>) target(%arg9 : memref<32x128xf32, #tpu.memory_space<vmem>>) offsets(%dma_start3A_429 : memref<32xi32, #tpu.memory_space<vmem>>) semaphore(%arg12 : memref<!tpu.dma_semaphore, #tpu.memory_space<semaphore_mem>>)
      %dma_start3A_433 = arith.constant 0 : i32
      %dma_start3A_434 = arith.constant 32 : i32
      %dma_start3A_435 = tpu.memref_slice %arg7[%dma_start3A_433, %dma_start3A_434] : memref<4x128xi32, #tpu.memory_space<vmem>> -> memref<1x32xi32, #tpu.memory_space<vmem>>
      %dma_start3A_436 = tpu.memref_squeeze %dma_start3A_435 : memref<1x32xi32, #tpu.memory_space<vmem>> -> memref<32xi32, #tpu.memory_space<vmem>>
      %dma_start3A_437 = arith.constant 0 : i32
      %dma_start3A_438 = arith.constant 0 : i32
      %dma_start3A_439 = tpu.memref_slice %arg5[%dma_start3A_437, %dma_start3A_438] : memref<10000x128xf32, #tpu.memory_space<vmem_shared>> -> memref<10000x128xf32, #tpu.memory_space<vmem_shared>>
      tpu.enqueue_indirect_dma source(%dma_start3A_439 : memref<10000x128xf32, #tpu.memory_space<vmem_shared>>) target(%arg10 : memref<32x128xf32, #tpu.memory_space<vmem>>) offsets(%dma_start3A_436 : memref<32xi32, #tpu.memory_space<vmem>>) semaphore(%arg13 : memref<!tpu.dma_semaphore, #tpu.memory_space<semaphore_mem>>)
      %dma_wait3A_440 = arith.constant 0 : i32
      %dma_wait3A_441 = arith.constant 0 : i32
      %dma_wait3A_442 = tpu.memref_slice %arg7[%dma_wait3A_440, %dma_wait3A_441] : memref<4x128xi32, #tpu.memory_space<vmem>> -> memref<1x32xi32, #tpu.memory_space<vmem>>
      %dma_wait3A_443 = tpu.memref_squeeze %dma_wait3A_442 : memref<1x32xi32, #tpu.memory_space<vmem>> -> memref<32xi32, #tpu.memory_space<vmem>>
      %dma_wait3A_444 = arith.constant 0 : i32
      %dma_wait3A_445 = arith.constant 0 : i32
      %dma_wait3A_446 = tpu.memref_slice %arg5[%dma_wait3A_444, %dma_wait3A_445] : memref<10000x128xf32, #tpu.memory_space<vmem_shared>> -> memref<10000x128xf32, #tpu.memory_space<vmem_shared>>
      tpu.wait_indirect_dma semaphore(%arg12 : memref<!tpu.dma_semaphore, #tpu.memory_space<semaphore_mem>>) src(%dma_wait3A_446 : memref<10000x128xf32, #tpu.memory_space<vmem_shared>>) dst(%arg9 : memref<32x128xf32, #tpu.memory_space<vmem>>)
      %dma_start3A_447 = arith.constant 0 : i32
      %dma_start3A_448 = arith.constant 0 : i32
      %dma_start3A_449 = tpu.memref_slice %arg8[%dma_start3A_447, %dma_start3A_448] : memref<8x32xi32, #tpu.memory_space<vmem>> -> memref<1x32xi32, #tpu.memory_space<vmem>>
      %dma_start3A_450 = tpu.memref_squeeze %dma_start3A_449 : memref<1x32xi32, #tpu.memory_space<vmem>> -> memref<32xi32, #tpu.memory_space<vmem>>
      %dma_start3A_451 = arith.constant 0 : i32
      %dma_start3A_452 = arith.constant 0 : i32
      %dma_start3A_453 = tpu.memref_slice %arg6[%dma_start3A_451, %dma_start3A_452] : memref<5008x128xf32, #tpu.memory_space<vmem_shared>> -> memref<5008x128xf32, #tpu.memory_space<vmem_shared>>
      tpu.enqueue_indirect_dma source(%arg9 : memref<32x128xf32, #tpu.memory_space<vmem>>) target(%dma_start3A_453 : memref<5008x128xf32, #tpu.memory_space<vmem_shared>>) offsets(%dma_start3A_450 : memref<32xi32, #tpu.memory_space<vmem>>) semaphore(%arg14 : memref<!tpu.dma_semaphore, #tpu.memory_space<semaphore_mem>>) {add = true}
      %dma_wait3A_454 = arith.constant 0 : i32
      %dma_wait3A_455 = arith.constant 0 : i32
      %dma_wait3A_456 = tpu.memref_slice %arg8[%dma_wait3A_454, %dma_wait3A_455] : memref<8x32xi32, #tpu.memory_space<vmem>> -> memref<1x32xi32, #tpu.memory_space<vmem>>
      %dma_wait3A_457 = tpu.memref_squeeze %dma_wait3A_456 : memref<1x32xi32, #tpu.memory_space<vmem>> -> memref<32xi32, #tpu.memory_space<vmem>>
      %dma_wait3A_458 = arith.constant 0 : i32
      %dma_wait3A_459 = arith.constant 0 : i32
      %dma_wait3A_460 = tpu.memref_slice %arg6[%dma_wait3A_458, %dma_wait3A_459] : memref<5008x128xf32, #tpu.memory_space<vmem_shared>> -> memref<5008x128xf32, #tpu.memory_space<vmem_shared>>
      tpu.wait_indirect_dma semaphore(%arg14 : memref<!tpu.dma_semaphore, #tpu.memory_space<semaphore_mem>>) src(%arg9 : memref<32x128xf32, #tpu.memory_space<vmem>>) dst(%dma_wait3A_460 : memref<5008x128xf32, #tpu.memory_space<vmem_shared>>)
      %dma_start3A_461 = arith.constant 0 : i32
      %dma_start3A_462 = arith.constant 64 : i32
      %dma_start3A_463 = tpu.memref_slice %arg7[%dma_start3A_461, %dma_start3A_462] : memref<4x128xi32, #tpu.memory_space<vmem>> -> memref<1x32xi32, #tpu.memory_space<vmem>>
      %dma_start3A_464 = tpu.memref_squeeze %dma_start3A_463 : memref<1x32xi32, #tpu.memory_space<vmem>> -> memref<32xi32, #tpu.memory_space<vmem>>
      %dma_start3A_465 = arith.constant 0 : i32
      %dma_start3A_466 = arith.constant 0 : i32
      %dma_start3A_467 = tpu.memref_slice %arg5[%dma_start3A_465, %dma_start3A_466] : memref<10000x128xf32, #tpu.memory_space<vmem_shared>> -> memref<10000x128xf32, #tpu.memory_space<vmem_shared>>
      tpu.enqueue_indirect_dma source(%dma_start3A_467 : memref<10000x128xf32, #tpu.memory_space<vmem_shared>>) target(%arg9 : memref<32x128xf32, #tpu.memory_space<vmem>>) offsets(%dma_start3A_464 : memref<32xi32, #tpu.memory_space<vmem>>) semaphore(%arg12 : memref<!tpu.dma_semaphore, #tpu.memory_space<semaphore_mem>>)
      %dma_wait3A_468 = arith.constant 0 : i32
      %dma_wait3A_469 = arith.constant 32 : i32
      %dma_wait3A_470 = tpu.memref_slice %arg7[%dma_wait3A_468, %dma_wait3A_469] : memref<4x128xi32, #tpu.memory_space<vmem>> -> memref<1x32xi32, #tpu.memory_space<vmem>>
      %dma_wait3A_471 = tpu.memref_squeeze %dma_wait3A_470 : memref<1x32xi32, #tpu.memory_space<vmem>> -> memref<32xi32, #tpu.memory_space<vmem>>
      %dma_wait3A_472 = arith.constant 0 : i32
      %dma_wait3A_473 = arith.constant 0 : i32
      %dma_wait3A_474 = tpu.memref_slice %arg5[%dma_wait3A_472, %dma_wait3A_473] : memref<10000x128xf32, #tpu.memory_space<vmem_shared>> -> memref<10000x128xf32, #tpu.memory_space<vmem_shared>>
      tpu.wait_indirect_dma semaphore(%arg13 : memref<!tpu.dma_semaphore, #tpu.memory_space<semaphore_mem>>) src(%dma_wait3A_474 : memref<10000x128xf32, #tpu.memory_space<vmem_shared>>) dst(%arg10 : memref<32x128xf32, #tpu.memory_space<vmem>>)
      %dma_start3A_475 = arith.constant 1 : i32
      %dma_start3A_476 = arith.constant 0 : i32
      %dma_start3A_477 = tpu.memref_slice %arg8[%dma_start3A_475, %dma_start3A_476] : memref<8x32xi32, #tpu.memory_space<vmem>> -> memref<1x32xi32, #tpu.memory_space<vmem>>
      %dma_start3A_478 = tpu.memref_squeeze %dma_start3A_477 : memref<1x32xi32, #tpu.memory_space<vmem>> -> memref<32xi32, #tpu.memory_space<vmem>>
      %dma_start3A_479 = arith.constant 0 : i32
      %dma_start3A_480 = arith.constant 0 : i32
      %dma_start3A_481 = tpu.memref_slice %arg6[%dma_start3A_479, %dma_start3A_480] : memref<5008x128xf32, #tpu.memory_space<vmem_shared>> -> memref<5008x128xf32, #tpu.memory_space<vmem_shared>>
      tpu.enqueue_indirect_dma source(%arg10 : memref<32x128xf32, #tpu.memory_space<vmem>>) target(%dma_start3A_481 : memref<5008x128xf32, #tpu.memory_space<vmem_shared>>) offsets(%dma_start3A_478 : memref<32xi32, #tpu.memory_space<vmem>>) semaphore(%arg15 : memref<!tpu.dma_semaphore, #tpu.memory_space<semaphore_mem>>) {add = true}
      %dma_wait3A_482 = arith.constant 1 : i32
      %dma_wait3A_483 = arith.constant 0 : i32
      %dma_wait3A_484 = tpu.memref_slice %arg8[%dma_wait3A_482, %dma_wait3A_483] : memref<8x32xi32, #tpu.memory_space<vmem>> -> memref<1x32xi32, #tpu.memory_space<vmem>>
      %dma_wait3A_485 = tpu.memref_squeeze %dma_wait3A_484 : memref<1x32xi32, #tpu.memory_space<vmem>> -> memref<32xi32, #tpu.memory_space<vmem>>
      %dma_wait3A_486 = arith.constant 0 : i32
      %dma_wait3A_487 = arith.constant 0 : i32
      %dma_wait3A_488 = tpu.memref_slice %arg6[%dma_wait3A_486, %dma_wait3A_487] : memref<5008x128xf32, #tpu.memory_space<vmem_shared>> -> memref<5008x128xf32, #tpu.memory_space<vmem_shared>>
      tpu.wait_indirect_dma semaphore(%arg15 : memref<!tpu.dma_semaphore, #tpu.memory_space<semaphore_mem>>) src(%arg10 : memref<32x128xf32, #tpu.memory_space<vmem>>) dst(%dma_wait3A_488 : memref<5008x128xf32, #tpu.memory_space<vmem_shared>>)
      %dma_start3A_489 = arith.constant 0 : i32
      %dma_start3A_490 = arith.constant 96 : i32
      %dma_start3A_491 = tpu.memref_slice %arg7[%dma_start3A_489, %dma_start3A_490] : memref<4x128xi32, #tpu.memory_space<vmem>> -> memref<1x32xi32, #tpu.memory_space<vmem>>
      %dma_start3A_492 = tpu.memref_squeeze %dma_start3A_491 : memref<1x32xi32, #tpu.memory_space<vmem>> -> memref<32xi32, #tpu.memory_space<vmem>>
      %dma_start3A_493 = arith.constant 0 : i32
      %dma_start3A_494 = arith.constant 0 : i32
      %dma_start3A_495 = tpu.memref_slice %arg5[%dma_start3A_493, %dma_start3A_494] : memref<10000x128xf32, #tpu.memory_space<vmem_shared>> -> memref<10000x128xf32, #tpu.memory_space<vmem_shared>>
      tpu.enqueue_indirect_dma source(%dma_start3A_495 : memref<10000x128xf32, #tpu.memory_space<vmem_shared>>) target(%arg10 : memref<32x128xf32, #tpu.memory_space<vmem>>) offsets(%dma_start3A_492 : memref<32xi32, #tpu.memory_space<vmem>>) semaphore(%arg13 : memref<!tpu.dma_semaphore, #tpu.memory_space<semaphore_mem>>)
      %dma_wait3A_496 = arith.constant 0 : i32
      %dma_wait3A_497 = arith.constant 64 : i32
      %dma_wait3A_498 = tpu.memref_slice %arg7[%dma_wait3A_496, %dma_wait3A_497] : memref<4x128xi32, #tpu.memory_space<vmem>> -> memref<1x32xi32, #tpu.memory_space<vmem>>
      %dma_wait3A_499 = tpu.memref_squeeze %dma_wait3A_498 : memref<1x32xi32, #tpu.memory_space<vmem>> -> memref<32xi32, #tpu.memory_space<vmem>>
      %dma_wait3A_500 = arith.constant 0 : i32
      %dma_wait3A_501 = arith.constant 0 : i32
      %dma_wait3A_502 = tpu.memref_slice %arg5[%dma_wait3A_500, %dma_wait3A_501] : memref<10000x128xf32, #tpu.memory_space<vmem_shared>> -> memref<10000x128xf32, #tpu.memory_space<vmem_shared>>
      tpu.wait_indirect_dma semaphore(%arg12 : memref<!tpu.dma_semaphore, #tpu.memory_space<semaphore_mem>>) src(%dma_wait3A_502 : memref<10000x128xf32, #tpu.memory_space<vmem_shared>>) dst(%arg9 : memref<32x128xf32, #tpu.memory_space<vmem>>)
      %dma_start3A_503 = arith.constant 2 : i32
      %dma_start3A_504 = arith.constant 0 : i32
      %dma_start3A_505 = tpu.memref_slice %arg8[%dma_start3A_503, %dma_start3A_504] : memref<8x32xi32, #tpu.memory_space<vmem>> -> memref<1x32xi32, #tpu.memory_space<vmem>>
      %dma_start3A_506 = tpu.memref_squeeze %dma_start3A_505 : memref<1x32xi32, #tpu.memory_space<vmem>> -> memref<32xi32, #tpu.memory_space<vmem>>
      %dma_start3A_507 = arith.constant 0 : i32
      %dma_start3A_508 = arith.constant 0 : i32
      %dma_start3A_509 = tpu.memref_slice %arg6[%dma_start3A_507, %dma_start3A_508] : memref<5008x128xf32, #tpu.memory_space<vmem_shared>> -> memref<5008x128xf32, #tpu.memory_space<vmem_shared>>
      tpu.enqueue_indirect_dma source(%arg9 : memref<32x128xf32, #tpu.memory_space<vmem>>) target(%dma_start3A_509 : memref<5008x128xf32, #tpu.memory_space<vmem_shared>>) offsets(%dma_start3A_506 : memref<32xi32, #tpu.memory_space<vmem>>) semaphore(%arg14 : memref<!tpu.dma_semaphore, #tpu.memory_space<semaphore_mem>>) {add = true}
      %dma_wait3A_510 = arith.constant 2 : i32
      %dma_wait3A_511 = arith.constant 0 : i32
      %dma_wait3A_512 = tpu.memref_slice %arg8[%dma_wait3A_510, %dma_wait3A_511] : memref<8x32xi32, #tpu.memory_space<vmem>> -> memref<1x32xi32, #tpu.memory_space<vmem>>
      %dma_wait3A_513 = tpu.memref_squeeze %dma_wait3A_512 : memref<1x32xi32, #tpu.memory_space<vmem>> -> memref<32xi32, #tpu.memory_space<vmem>>
      %dma_wait3A_514 = arith.constant 0 : i32
      %dma_wait3A_515 = arith.constant 0 : i32
      %dma_wait3A_516 = tpu.memref_slice %arg6[%dma_wait3A_514, %dma_wait3A_515] : memref<5008x128xf32, #tpu.memory_space<vmem_shared>> -> memref<5008x128xf32, #tpu.memory_space<vmem_shared>>
      tpu.wait_indirect_dma semaphore(%arg14 : memref<!tpu.dma_semaphore, #tpu.memory_space<semaphore_mem>>) src(%arg9 : memref<32x128xf32, #tpu.memory_space<vmem>>) dst(%dma_wait3A_516 : memref<5008x128xf32, #tpu.memory_space<vmem_shared>>)
      %dma_start3A_517 = arith.constant 1 : i32
      %dma_start3A_518 = arith.constant 0 : i32
      %dma_start3A_519 = tpu.memref_slice %arg7[%dma_start3A_517, %dma_start3A_518] : memref<4x128xi32, #tpu.memory_space<vmem>> -> memref<1x32xi32, #tpu.memory_space<vmem>>
      %dma_start3A_520 = tpu.memref_squeeze %dma_start3A_519 : memref<1x32xi32, #tpu.memory_space<vmem>> -> memref<32xi32, #tpu.memory_space<vmem>>
      %dma_start3A_521 = arith.constant 0 : i32
      %dma_start3A_522 = arith.constant 0 : i32
      %dma_start3A_523 = tpu.memref_slice %arg5[%dma_start3A_521, %dma_start3A_522] : memref<10000x128xf32, #tpu.memory_space<vmem_shared>> -> memref<10000x128xf32, #tpu.memory_space<vmem_shared>>
      tpu.enqueue_indirect_dma source(%dma_start3A_523 : memref<10000x128xf32, #tpu.memory_space<vmem_shared>>) target(%arg9 : memref<32x128xf32, #tpu.memory_space<vmem>>) offsets(%dma_start3A_520 : memref<32xi32, #tpu.memory_space<vmem>>) semaphore(%arg12 : memref<!tpu.dma_semaphore, #tpu.memory_space<semaphore_mem>>)
      %dma_wait3A_524 = arith.constant 0 : i32
      %dma_wait3A_525 = arith.constant 96 : i32
      %dma_wait3A_526 = tpu.memref_slice %arg7[%dma_wait3A_524, %dma_wait3A_525] : memref<4x128xi32, #tpu.memory_space<vmem>> -> memref<1x32xi32, #tpu.memory_space<vmem>>
      %dma_wait3A_527 = tpu.memref_squeeze %dma_wait3A_526 : memref<1x32xi32, #tpu.memory_space<vmem>> -> memref<32xi32, #tpu.memory_space<vmem>>
      %dma_wait3A_528 = arith.constant 0 : i32
      %dma_wait3A_529 = arith.constant 0 : i32
      %dma_wait3A_530 = tpu.memref_slice %arg5[%dma_wait3A_528, %dma_wait3A_529] : memref<10000x128xf32, #tpu.memory_space<vmem_shared>> -> memref<10000x128xf32, #tpu.memory_space<vmem_shared>>
      tpu.wait_indirect_dma semaphore(%arg13 : memref<!tpu.dma_semaphore, #tpu.memory_space<semaphore_mem>>) src(%dma_wait3A_530 : memref<10000x128xf32, #tpu.memory_space<vmem_shared>>) dst(%arg10 : memref<32x128xf32, #tpu.memory_space<vmem>>)
      %dma_start3A_531 = arith.constant 3 : i32
      %dma_start3A_532 = arith.constant 0 : i32
      %dma_start3A_533 = tpu.memref_slice %arg8[%dma_start3A_531, %dma_start3A_532] : memref<8x32xi32, #tpu.memory_space<vmem>> -> memref<1x32xi32, #tpu.memory_space<vmem>>
      %dma_start3A_534 = tpu.memref_squeeze %dma_start3A_533 : memref<1x32xi32, #tpu.memory_space<vmem>> -> memref<32xi32, #tpu.memory_space<vmem>>
      %dma_start3A_535 = arith.constant 0 : i32
      %dma_start3A_536 = arith.constant 0 : i32
      %dma_start3A_537 = tpu.memref_slice %arg6[%dma_start3A_535, %dma_start3A_536] : memref<5008x128xf32, #tpu.memory_space<vmem_shared>> -> memref<5008x128xf32, #tpu.memory_space<vmem_shared>>
      tpu.enqueue_indirect_dma source(%arg10 : memref<32x128xf32, #tpu.memory_space<vmem>>) target(%dma_start3A_537 : memref<5008x128xf32, #tpu.memory_space<vmem_shared>>) offsets(%dma_start3A_534 : memref<32xi32, #tpu.memory_space<vmem>>) semaphore(%arg15 : memref<!tpu.dma_semaphore, #tpu.memory_space<semaphore_mem>>) {add = true}
      %dma_wait3A_538 = arith.constant 3 : i32
      %dma_wait3A_539 = arith.constant 0 : i32
      %dma_wait3A_540 = tpu.memref_slice %arg8[%dma_wait3A_538, %dma_wait3A_539] : memref<8x32xi32, #tpu.memory_space<vmem>> -> memref<1x32xi32, #tpu.memory_space<vmem>>
      %dma_wait3A_541 = tpu.memref_squeeze %dma_wait3A_540 : memref<1x32xi32, #tpu.memory_space<vmem>> -> memref<32xi32, #tpu.memory_space<vmem>>
      %dma_wait3A_542 = arith.constant 0 : i32
      %dma_wait3A_543 = arith.constant 0 : i32
      %dma_wait3A_544 = tpu.memref_slice %arg6[%dma_wait3A_542, %dma_wait3A_543] : memref<5008x128xf32, #tpu.memory_space<vmem_shared>> -> memref<5008x128xf32, #tpu.memory_space<vmem_shared>>
      tpu.wait_indirect_dma semaphore(%arg15 : memref<!tpu.dma_semaphore, #tpu.memory_space<semaphore_mem>>) src(%arg10 : memref<32x128xf32, #tpu.memory_space<vmem>>) dst(%dma_wait3A_544 : memref<5008x128xf32, #tpu.memory_space<vmem_shared>>)
      %dma_start3A_545 = arith.constant 1 : i32
      %dma_start3A_546 = arith.constant 32 : i32
      %dma_start3A_547 = tpu.memref_slice %arg7[%dma_start3A_545, %dma_start3A_546] : memref<4x128xi32, #tpu.memory_space<vmem>> -> memref<1x32xi32, #tpu.memory_space<vmem>>
      %dma_start3A_548 = tpu.memref_squeeze %dma_start3A_547 : memref<1x32xi32, #tpu.memory_space<vmem>> -> memref<32xi32, #tpu.memory_space<vmem>>
      %dma_start3A_549 = arith.constant 0 : i32
      %dma_start3A_550 = arith.constant 0 : i32
      %dma_start3A_551 = tpu.memref_slice %arg5[%dma_start3A_549, %dma_start3A_550] : memref<10000x128xf32, #tpu.memory_space<vmem_shared>> -> memref<10000x128xf32, #tpu.memory_space<vmem_shared>>
      tpu.enqueue_indirect_dma source(%dma_start3A_551 : memref<10000x128xf32, #tpu.memory_space<vmem_shared>>) target(%arg10 : memref<32x128xf32, #tpu.memory_space<vmem>>) offsets(%dma_start3A_548 : memref<32xi32, #tpu.memory_space<vmem>>) semaphore(%arg13 : memref<!tpu.dma_semaphore, #tpu.memory_space<semaphore_mem>>)
      %dma_wait3A_552 = arith.constant 1 : i32
      %dma_wait3A_553 = arith.constant 0 : i32
      %dma_wait3A_554 = tpu.memref_slice %arg7[%dma_wait3A_552, %dma_wait3A_553] : memref<4x128xi32, #tpu.memory_space<vmem>> -> memref<1x32xi32, #tpu.memory_space<vmem>>
      %dma_wait3A_555 = tpu.memref_squeeze %dma_wait3A_554 : memref<1x32xi32, #tpu.memory_space<vmem>> -> memref<32xi32, #tpu.memory_space<vmem>>
      %dma_wait3A_556 = arith.constant 0 : i32
      %dma_wait3A_557 = arith.constant 0 : i32
      %dma_wait3A_558 = tpu.memref_slice %arg5[%dma_wait3A_556, %dma_wait3A_557] : memref<10000x128xf32, #tpu.memory_space<vmem_shared>> -> memref<10000x128xf32, #tpu.memory_space<vmem_shared>>
      tpu.wait_indirect_dma semaphore(%arg12 : memref<!tpu.dma_semaphore, #tpu.memory_space<semaphore_mem>>) src(%dma_wait3A_558 : memref<10000x128xf32, #tpu.memory_space<vmem_shared>>) dst(%arg9 : memref<32x128xf32, #tpu.memory_space<vmem>>)
      %dma_start3A_559 = arith.constant 4 : i32
      %dma_start3A_560 = arith.constant 0 : i32
      %dma_start3A_561 = tpu.memref_slice %arg8[%dma_start3A_559, %dma_start3A_560] : memref<8x32xi32, #tpu.memory_space<vmem>> -> memref<1x32xi32, #tpu.memory_space<vmem>>
      %dma_start3A_562 = tpu.memref_squeeze %dma_start3A_561 : memref<1x32xi32, #tpu.memory_space<vmem>> -> memref<32xi32, #tpu.memory_space<vmem>>
      %dma_start3A_563 = arith.constant 0 : i32
      %dma_start3A_564 = arith.constant 0 : i32
      %dma_start3A_565 = tpu.memref_slice %arg6[%dma_start3A_563, %dma_start3A_564] : memref<5008x128xf32, #tpu.memory_space<vmem_shared>> -> memref<5008x128xf32, #tpu.memory_space<vmem_shared>>
      tpu.enqueue_indirect_dma source(%arg9 : memref<32x128xf32, #tpu.memory_space<vmem>>) target(%dma_start3A_565 : memref<5008x128xf32, #tpu.memory_space<vmem_shared>>) offsets(%dma_start3A_562 : memref<32xi32, #tpu.memory_space<vmem>>) semaphore(%arg14 : memref<!tpu.dma_semaphore, #tpu.memory_space<semaphore_mem>>) {add = true}
      %dma_wait3A_566 = arith.constant 4 : i32
      %dma_wait3A_567 = arith.constant 0 : i32
      %dma_wait3A_568 = tpu.memref_slice %arg8[%dma_wait3A_566, %dma_wait3A_567] : memref<8x32xi32, #tpu.memory_space<vmem>> -> memref<1x32xi32, #tpu.memory_space<vmem>>
      %dma_wait3A_569 = tpu.memref_squeeze %dma_wait3A_568 : memref<1x32xi32, #tpu.memory_space<vmem>> -> memref<32xi32, #tpu.memory_space<vmem>>
      %dma_wait3A_570 = arith.constant 0 : i32
      %dma_wait3A_571 = arith.constant 0 : i32
      %dma_wait3A_572 = tpu.memref_slice %arg6[%dma_wait3A_570, %dma_wait3A_571] : memref<5008x128xf32, #tpu.memory_space<vmem_shared>> -> memref<5008x128xf32, #tpu.memory_space<vmem_shared>>
      tpu.wait_indirect_dma semaphore(%arg14 : memref<!tpu.dma_semaphore, #tpu.memory_space<semaphore_mem>>) src(%arg9 : memref<32x128xf32, #tpu.memory_space<vmem>>) dst(%dma_wait3A_572 : memref<5008x128xf32, #tpu.memory_space<vmem_shared>>)
      %dma_start3A_573 = arith.constant 1 : i32
      %dma_start3A_574 = arith.constant 64 : i32
      %dma_start3A_575 = tpu.memref_slice %arg7[%dma_start3A_573, %dma_start3A_574] : memref<4x128xi32, #tpu.memory_space<vmem>> -> memref<1x32xi32, #tpu.memory_space<vmem>>
      %dma_start3A_576 = tpu.memref_squeeze %dma_start3A_575 : memref<1x32xi32, #tpu.memory_space<vmem>> -> memref<32xi32, #tpu.memory_space<vmem>>
      %dma_start3A_577 = arith.constant 0 : i32
      %dma_start3A_578 = arith.constant 0 : i32
      %dma_start3A_579 = tpu.memref_slice %arg5[%dma_start3A_577, %dma_start3A_578] : memref<10000x128xf32, #tpu.memory_space<vmem_shared>> -> memref<10000x128xf32, #tpu.memory_space<vmem_shared>>
      tpu.enqueue_indirect_dma source(%dma_start3A_579 : memref<10000x128xf32, #tpu.memory_space<vmem_shared>>) target(%arg9 : memref<32x128xf32, #tpu.memory_space<vmem>>) offsets(%dma_start3A_576 : memref<32xi32, #tpu.memory_space<vmem>>) semaphore(%arg12 : memref<!tpu.dma_semaphore, #tpu.memory_space<semaphore_mem>>)
      %dma_wait3A_580 = arith.constant 1 : i32
      %dma_wait3A_581 = arith.constant 32 : i32
      %dma_wait3A_582 = tpu.memref_slice %arg7[%dma_wait3A_580, %dma_wait3A_581] : memref<4x128xi32, #tpu.memory_space<vmem>> -> memref<1x32xi32, #tpu.memory_space<vmem>>
      %dma_wait3A_583 = tpu.memref_squeeze %dma_wait3A_582 : memref<1x32xi32, #tpu.memory_space<vmem>> -> memref<32xi32, #tpu.memory_space<vmem>>
      %dma_wait3A_584 = arith.constant 0 : i32
      %dma_wait3A_585 = arith.constant 0 : i32
      %dma_wait3A_586 = tpu.memref_slice %arg5[%dma_wait3A_584, %dma_wait3A_585] : memref<10000x128xf32, #tpu.memory_space<vmem_shared>> -> memref<10000x128xf32, #tpu.memory_space<vmem_shared>>
      tpu.wait_indirect_dma semaphore(%arg13 : memref<!tpu.dma_semaphore, #tpu.memory_space<semaphore_mem>>) src(%dma_wait3A_586 : memref<10000x128xf32, #tpu.memory_space<vmem_shared>>) dst(%arg10 : memref<32x128xf32, #tpu.memory_space<vmem>>)
      %dma_start3A_587 = arith.constant 5 : i32
      %dma_start3A_588 = arith.constant 0 : i32
      %dma_start3A_589 = tpu.memref_slice %arg8[%dma_start3A_587, %dma_start3A_588] : memref<8x32xi32, #tpu.memory_space<vmem>> -> memref<1x32xi32, #tpu.memory_space<vmem>>
      %dma_start3A_590 = tpu.memref_squeeze %dma_start3A_589 : memref<1x32xi32, #tpu.memory_space<vmem>> -> memref<32xi32, #tpu.memory_space<vmem>>
      %dma_start3A_591 = arith.constant 0 : i32
      %dma_start3A_592 = arith.constant 0 : i32
      %dma_start3A_593 = tpu.memref_slice %arg6[%dma_start3A_591, %dma_start3A_592] : memref<5008x128xf32, #tpu.memory_space<vmem_shared>> -> memref<5008x128xf32, #tpu.memory_space<vmem_shared>>
      tpu.enqueue_indirect_dma source(%arg10 : memref<32x128xf32, #tpu.memory_space<vmem>>) target(%dma_start3A_593 : memref<5008x128xf32, #tpu.memory_space<vmem_shared>>) offsets(%dma_start3A_590 : memref<32xi32, #tpu.memory_space<vmem>>) semaphore(%arg15 : memref<!tpu.dma_semaphore, #tpu.memory_space<semaphore_mem>>) {add = true}
      %dma_wait3A_594 = arith.constant 5 : i32
      %dma_wait3A_595 = arith.constant 0 : i32
      %dma_wait3A_596 = tpu.memref_slice %arg8[%dma_wait3A_594, %dma_wait3A_595] : memref<8x32xi32, #tpu.memory_space<vmem>> -> memref<1x32xi32, #tpu.memory_space<vmem>>
      %dma_wait3A_597 = tpu.memref_squeeze %dma_wait3A_596 : memref<1x32xi32, #tpu.memory_space<vmem>> -> memref<32xi32, #tpu.memory_space<vmem>>
      %dma_wait3A_598 = arith.constant 0 : i32
      %dma_wait3A_599 = arith.constant 0 : i32
      %dma_wait3A_600 = tpu.memref_slice %arg6[%dma_wait3A_598, %dma_wait3A_599] : memref<5008x128xf32, #tpu.memory_space<vmem_shared>> -> memref<5008x128xf32, #tpu.memory_space<vmem_shared>>
      tpu.wait_indirect_dma semaphore(%arg15 : memref<!tpu.dma_semaphore, #tpu.memory_space<semaphore_mem>>) src(%arg10 : memref<32x128xf32, #tpu.memory_space<vmem>>) dst(%dma_wait3A_600 : memref<5008x128xf32, #tpu.memory_space<vmem_shared>>)
      %dma_start3A_601 = arith.constant 1 : i32
      %dma_start3A_602 = arith.constant 96 : i32
      %dma_start3A_603 = tpu.memref_slice %arg7[%dma_start3A_601, %dma_start3A_602] : memref<4x128xi32, #tpu.memory_space<vmem>> -> memref<1x32xi32, #tpu.memory_space<vmem>>
      %dma_start3A_604 = tpu.memref_squeeze %dma_start3A_603 : memref<1x32xi32, #tpu.memory_space<vmem>> -> memref<32xi32, #tpu.memory_space<vmem>>
      %dma_start3A_605 = arith.constant 0 : i32
      %dma_start3A_606 = arith.constant 0 : i32
      %dma_start3A_607 = tpu.memref_slice %arg5[%dma_start3A_605, %dma_start3A_606] : memref<10000x128xf32, #tpu.memory_space<vmem_shared>> -> memref<10000x128xf32, #tpu.memory_space<vmem_shared>>
      tpu.enqueue_indirect_dma source(%dma_start3A_607 : memref<10000x128xf32, #tpu.memory_space<vmem_shared>>) target(%arg10 : memref<32x128xf32, #tpu.memory_space<vmem>>) offsets(%dma_start3A_604 : memref<32xi32, #tpu.memory_space<vmem>>) semaphore(%arg13 : memref<!tpu.dma_semaphore, #tpu.memory_space<semaphore_mem>>)
      %dma_wait3A_608 = arith.constant 1 : i32
      %dma_wait3A_609 = arith.constant 64 : i32
      %dma_wait3A_610 = tpu.memref_slice %arg7[%dma_wait3A_608, %dma_wait3A_609] : memref<4x128xi32, #tpu.memory_space<vmem>> -> memref<1x32xi32, #tpu.memory_space<vmem>>
      %dma_wait3A_611 = tpu.memref_squeeze %dma_wait3A_610 : memref<1x32xi32, #tpu.memory_space<vmem>> -> memref<32xi32, #tpu.memory_space<vmem>>
      %dma_wait3A_612 = arith.constant 0 : i32
      %dma_wait3A_613 = arith.constant 0 : i32
      %dma_wait3A_614 = tpu.memref_slice %arg5[%dma_wait3A_612, %dma_wait3A_613] : memref<10000x128xf32, #tpu.memory_space<vmem_shared>> -> memref<10000x128xf32, #tpu.memory_space<vmem_shared>>
      tpu.wait_indirect_dma semaphore(%arg12 : memref<!tpu.dma_semaphore, #tpu.memory_space<semaphore_mem>>) src(%dma_wait3A_614 : memref<10000x128xf32, #tpu.memory_space<vmem_shared>>) dst(%arg9 : memref<32x128xf32, #tpu.memory_space<vmem>>)
      %dma_start3A_615 = arith.constant 6 : i32
      %dma_start3A_616 = arith.constant 0 : i32
      %dma_start3A_617 = tpu.memref_slice %arg8[%dma_start3A_615, %dma_start3A_616] : memref<8x32xi32, #tpu.memory_space<vmem>> -> memref<1x32xi32, #tpu.memory_space<vmem>>
      %dma_start3A_618 = tpu.memref_squeeze %dma_start3A_617 : memref<1x32xi32, #tpu.memory_space<vmem>> -> memref<32xi32, #tpu.memory_space<vmem>>
      %dma_start3A_619 = arith.constant 0 : i32
      %dma_start3A_620 = arith.constant 0 : i32
      %dma_start3A_621 = tpu.memref_slice %arg6[%dma_start3A_619, %dma_start3A_620] : memref<5008x128xf32, #tpu.memory_space<vmem_shared>> -> memref<5008x128xf32, #tpu.memory_space<vmem_shared>>
      tpu.enqueue_indirect_dma source(%arg9 : memref<32x128xf32, #tpu.memory_space<vmem>>) target(%dma_start3A_621 : memref<5008x128xf32, #tpu.memory_space<vmem_shared>>) offsets(%dma_start3A_618 : memref<32xi32, #tpu.memory_space<vmem>>) semaphore(%arg14 : memref<!tpu.dma_semaphore, #tpu.memory_space<semaphore_mem>>) {add = true}
      %dma_wait3A_622 = arith.constant 6 : i32
      %dma_wait3A_623 = arith.constant 0 : i32
      %dma_wait3A_624 = tpu.memref_slice %arg8[%dma_wait3A_622, %dma_wait3A_623] : memref<8x32xi32, #tpu.memory_space<vmem>> -> memref<1x32xi32, #tpu.memory_space<vmem>>
      %dma_wait3A_625 = tpu.memref_squeeze %dma_wait3A_624 : memref<1x32xi32, #tpu.memory_space<vmem>> -> memref<32xi32, #tpu.memory_space<vmem>>
      %dma_wait3A_626 = arith.constant 0 : i32
      %dma_wait3A_627 = arith.constant 0 : i32
      %dma_wait3A_628 = tpu.memref_slice %arg6[%dma_wait3A_626, %dma_wait3A_627] : memref<5008x128xf32, #tpu.memory_space<vmem_shared>> -> memref<5008x128xf32, #tpu.memory_space<vmem_shared>>
      tpu.wait_indirect_dma semaphore(%arg14 : memref<!tpu.dma_semaphore, #tpu.memory_space<semaphore_mem>>) src(%arg9 : memref<32x128xf32, #tpu.memory_space<vmem>>) dst(%dma_wait3A_628 : memref<5008x128xf32, #tpu.memory_space<vmem_shared>>)
      %dma_wait3A_629 = arith.constant 1 : i32
      %dma_wait3A_630 = arith.constant 96 : i32
      %dma_wait3A_631 = tpu.memref_slice %arg7[%dma_wait3A_629, %dma_wait3A_630] : memref<4x128xi32, #tpu.memory_space<vmem>> -> memref<1x32xi32, #tpu.memory_space<vmem>>
      %dma_wait3A_632 = tpu.memref_squeeze %dma_wait3A_631 : memref<1x32xi32, #tpu.memory_space<vmem>> -> memref<32xi32, #tpu.memory_space<vmem>>
      %dma_wait3A_633 = arith.constant 0 : i32
      %dma_wait3A_634 = arith.constant 0 : i32
      %dma_wait3A_635 = tpu.memref_slice %arg5[%dma_wait3A_633, %dma_wait3A_634] : memref<10000x128xf32, #tpu.memory_space<vmem_shared>> -> memref<10000x128xf32, #tpu.memory_space<vmem_shared>>
      tpu.wait_indirect_dma semaphore(%arg13 : memref<!tpu.dma_semaphore, #tpu.memory_space<semaphore_mem>>) src(%dma_wait3A_635 : memref<10000x128xf32, #tpu.memory_space<vmem_shared>>) dst(%arg10 : memref<32x128xf32, #tpu.memory_space<vmem>>)
      %add3A_636 = arith.constant 1 : i32
      %add3A_637 = arith.addi %scan3A_56, %add3A_636 : i32
      %min3A_638 = arith.constant 79 : i32
      %min3A_639 = arith.minsi %add3A_637, %min3A_638 : i32
      %dma_start3A_640 = arith.constant 0 : i32
      %dma_start3A_641 = arith.constant 0 : i32
      %dma_start3A_642 = tpu.memref_slice %arg3[%arg1, %min3A_639, %dma_start3A_640, %dma_start3A_641] : memref<16x80x4x128xi32, #tpu.memory_space<hbm>> -> memref<1x1x4x128xi32, #tpu.memory_space<hbm>>
      %dma_start3A_643 = tpu.memref_squeeze %dma_start3A_642 : memref<1x1x4x128xi32, #tpu.memory_space<hbm>> -> memref<4x128xi32, #tpu.memory_space<hbm>>
      %dma_start3A_644 = arith.constant 0 : i32
      %dma_start3A_645 = arith.constant 0 : i32
      %dma_start3A_646 = tpu.memref_slice %arg3[%arg1, %min3A_639, %dma_start3A_644, %dma_start3A_645] : memref<16x80x4x128xi32, #tpu.memory_space<hbm>> -> memref<1x1x4x128xi32, #tpu.memory_space<hbm>>
      %dma_start3A_647 = tpu.memref_squeeze %dma_start3A_646 : memref<1x1x4x128xi32, #tpu.memory_space<hbm>> -> memref<4x128xi32, #tpu.memory_space<hbm>>
      tpu.enqueue_dma source(%dma_start3A_647 : memref<4x128xi32, #tpu.memory_space<hbm>>) target(%arg7 : memref<4x128xi32, #tpu.memory_space<vmem>>) target_semaphore(%arg11 : memref<!tpu.dma_semaphore, #tpu.memory_space<semaphore_mem>>)
      %dma_start3A_648 = arith.constant 7 : i32
      %dma_start3A_649 = arith.constant 0 : i32
      %dma_start3A_650 = tpu.memref_slice %arg8[%dma_start3A_648, %dma_start3A_649] : memref<8x32xi32, #tpu.memory_space<vmem>> -> memref<1x32xi32, #tpu.memory_space<vmem>>
      %dma_start3A_651 = tpu.memref_squeeze %dma_start3A_650 : memref<1x32xi32, #tpu.memory_space<vmem>> -> memref<32xi32, #tpu.memory_space<vmem>>
      %dma_start3A_652 = arith.constant 0 : i32
      %dma_start3A_653 = arith.constant 0 : i32
      %dma_start3A_654 = tpu.memref_slice %arg6[%dma_start3A_652, %dma_start3A_653] : memref<5008x128xf32, #tpu.memory_space<vmem_shared>> -> memref<5008x128xf32, #tpu.memory_space<vmem_shared>>
      tpu.enqueue_indirect_dma source(%arg10 : memref<32x128xf32, #tpu.memory_space<vmem>>) target(%dma_start3A_654 : memref<5008x128xf32, #tpu.memory_space<vmem_shared>>) offsets(%dma_start3A_651 : memref<32xi32, #tpu.memory_space<vmem>>) semaphore(%arg15 : memref<!tpu.dma_semaphore, #tpu.memory_space<semaphore_mem>>) {add = true}
      %dma_wait3A_655 = arith.constant 7 : i32
      %dma_wait3A_656 = arith.constant 0 : i32
      %dma_wait3A_657 = tpu.memref_slice %arg8[%dma_wait3A_655, %dma_wait3A_656] : memref<8x32xi32, #tpu.memory_space<vmem>> -> memref<1x32xi32, #tpu.memory_space<vmem>>
      %dma_wait3A_658 = tpu.memref_squeeze %dma_wait3A_657 : memref<1x32xi32, #tpu.memory_space<vmem>> -> memref<32xi32, #tpu.memory_space<vmem>>
      %dma_wait3A_659 = arith.constant 0 : i32
      %dma_wait3A_660 = arith.constant 0 : i32
      %dma_wait3A_661 = tpu.memref_slice %arg6[%dma_wait3A_659, %dma_wait3A_660] : memref<5008x128xf32, #tpu.memory_space<vmem_shared>> -> memref<5008x128xf32, #tpu.memory_space<vmem_shared>>
      tpu.wait_indirect_dma semaphore(%arg15 : memref<!tpu.dma_semaphore, #tpu.memory_space<semaphore_mem>>) src(%arg10 : memref<32x128xf32, #tpu.memory_space<vmem>>) dst(%dma_wait3A_661 : memref<5008x128xf32, #tpu.memory_space<vmem_shared>>)
    }
    %scan3A_46 = arith.constant 80 : i32
    %dma_wait3A = arith.constant 0 : i32
    %dma_wait3A_47 = arith.constant 0 : i32
    %dma_wait3A_48 = arith.constant 0 : i32
    %dma_wait3A_49 = tpu.memref_slice %arg3[%arg1, %dma_wait3A, %dma_wait3A_47, %dma_wait3A_48] : memref<16x80x4x128xi32, #tpu.memory_space<hbm>> -> memref<1x1x4x128xi32, #tpu.memory_space<hbm>>
    %dma_wait3A_50 = tpu.memref_squeeze %dma_wait3A_49 : memref<1x1x4x128xi32, #tpu.memory_space<hbm>> -> memref<4x128xi32, #tpu.memory_space<hbm>>
    %dma_wait3A_51 = arith.constant 0 : i32
    %dma_wait3A_52 = arith.constant 0 : i32
    %dma_wait3A_53 = tpu.memref_slice %arg3[%arg1, %dma_wait3A, %dma_wait3A_51, %dma_wait3A_52] : memref<16x80x4x128xi32, #tpu.memory_space<hbm>> -> memref<1x1x4x128xi32, #tpu.memory_space<hbm>>
    %dma_wait3A_54 = tpu.memref_squeeze %dma_wait3A_53 : memref<1x1x4x128xi32, #tpu.memory_space<hbm>> -> memref<4x128xi32, #tpu.memory_space<hbm>>
    tpu.wait_dma2 semaphore(%arg11 : memref<!tpu.dma_semaphore, #tpu.memory_space<semaphore_mem>>) src(%dma_wait3A_54 : memref<4x128xi32, #tpu.memory_space<hbm>>) dst(%arg7 : memref<4x128xi32, #tpu.memory_space<vmem>>)
    %barrier3A_55 = arith.constant 0 : index
    tpu.barrier barrier_id(%barrier3A_55)
    "tpu.region"() ({
      %run_scoped3A = tpu.sem_alloc : memref<!tpu.dma_semaphore, #tpu.memory_space<semaphore_mem>>
      %dma_start3A_56 = arith.constant 0 : i32
      %dma_start3A_57 = tpu.memref_slice %arg4[%arg0, %min3A_13, %dma_start3A_56] : memref<2x5008x128xf32, #tpu.memory_space<hbm>> -> memref<1x320x128xf32, #tpu.memory_space<hbm>>
      %dma_start3A_58 = tpu.memref_squeeze %dma_start3A_57 : memref<1x320x128xf32, #tpu.memory_space<hbm>> -> memref<320x128xf32, #tpu.memory_space<hbm>>
      %dma_start3A_59 = arith.constant 0 : i32
      %dma_start3A_60 = tpu.memref_slice %arg6[%min3A_13, %dma_start3A_59] : memref<5008x128xf32, #tpu.memory_space<vmem_shared>> -> memref<320x128xf32, #tpu.memory_space<vmem_shared>>
      tpu.enqueue_dma source(%dma_start3A_60 : memref<320x128xf32, #tpu.memory_space<vmem_shared>>) target(%dma_start3A_58 : memref<320x128xf32, #tpu.memory_space<hbm>>) target_semaphore(%run_scoped3A : memref<!tpu.dma_semaphore, #tpu.memory_space<semaphore_mem>>)
      %dma_wait3A_61 = arith.constant 0 : i32
      %dma_wait3A_62 = tpu.memref_slice %arg4[%arg0, %min3A_13, %dma_wait3A_61] : memref<2x5008x128xf32, #tpu.memory_space<hbm>> -> memref<1x320x128xf32, #tpu.memory_space<hbm>>
      %dma_wait3A_63 = tpu.memref_squeeze %dma_wait3A_62 : memref<1x320x128xf32, #tpu.memory_space<hbm>> -> memref<320x128xf32, #tpu.memory_space<hbm>>
      %dma_wait3A_64 = arith.constant 0 : i32
      %dma_wait3A_65 = tpu.memref_slice %arg6[%min3A_13, %dma_wait3A_64] : memref<5008x128xf32, #tpu.memory_space<vmem_shared>> -> memref<320x128xf32, #tpu.memory_space<vmem_shared>>
      tpu.wait_dma2 semaphore(%run_scoped3A : memref<!tpu.dma_semaphore, #tpu.memory_space<semaphore_mem>>) src(%dma_wait3A_65 : memref<320x128xf32, #tpu.memory_space<vmem_shared>>) dst(%dma_wait3A_63 : memref<320x128xf32, #tpu.memory_space<hbm>>)
      tpu.yield
    }) : () -> ()
    return
  }
}

module attributes {stable_mosaic.version = 14 : i64} {
  func.func @_mm_body(%arg0: memref<10000x128xf32, #tpu.memory_space<vmem>>, %arg1: memref<128x128xf32, #tpu.memory_space<vmem>>, %arg2: memref<1x128xf32, #tpu.memory_space<vmem>>, %arg3: memref<10000x128xf32, #tpu.memory_space<vmem>>) attributes {dimension_semantics = [], scalar_prefetch = 0 : i64, scratch_operands = 0 : i64, tpu.core_type = #tpu.core_type<tc>} {
    %get3A = arith.constant 0 : index
    %get3A_0 = arith.constant 0 : index
    %get3A_1 = vector.load %arg0[%get3A, %get3A_0] : memref<10000x128xf32, #tpu.memory_space<vmem>>, vector<10000x128xf32>
    %get3A_2 = arith.constant 0 : index
    %get3A_3 = arith.constant 0 : index
    %get3A_4 = vector.load %arg1[%get3A_2, %get3A_3] : memref<128x128xf32, #tpu.memory_space<vmem>>, vector<128x128xf32>
    %dot_general3A = arith.constant dense<0.000000e+00> : vector<10000x128xf32>
    %dot_general3A_5 = tpu.matmul %get3A_1, %get3A_4, %dot_general3A {dimension_numbers = #tpu.dot_dimension_numbers<[1], [0], [0], [1], [0, 0, 1, 1], [], []>, transpose_lhs_hint = false} : vector<10000x128xf32>, vector<128x128xf32>, vector<10000x128xf32> -> vector<10000x128xf32>
    %get3A_6 = arith.constant 0 : index
    %get3A_7 = arith.constant 0 : index
    %get3A_8 = vector.load %arg2[%get3A_6, %get3A_7] : memref<1x128xf32, #tpu.memory_space<vmem>>, vector<1x128xf32>
    %add3A = vector.broadcast %get3A_8 : vector<1x128xf32> to vector<10000x128xf32>
    %add3A_9 = arith.addf %dot_general3A_5, %add3A : vector<10000x128xf32>
    %swap3A = arith.constant 0 : index
    %swap3A_10 = arith.constant 0 : index
    %swap3A_11 = vector.load %arg3[%swap3A, %swap3A_10] : memref<10000x128xf32, #tpu.memory_space<vmem>>, vector<10000x128xf32>
    tpu.vector_store %arg3[%swap3A, %swap3A_10], %add3A_9 {strides = array<i32>} : memref<10000x128xf32, #tpu.memory_space<vmem>>, vector<10000x128xf32>,
    return
  }
}

module attributes {stable_mosaic.version = 14 : i64} {
  func.func @_combine_body(%arg0: memref<2x5008x128xf32, #tpu.memory_space<vmem>>, %arg1: memref<10000x128xf32, #tpu.memory_space<vmem>>) attributes {dimension_semantics = [], scalar_prefetch = 0 : i64, scratch_operands = 0 : i64, tpu.core_type = #tpu.core_type<tc>} {
    %get3A = arith.constant 0 : index
    %get3A_0 = arith.constant 0 : index
    %get3A_1 = arith.constant 0 : index
    %get3A_2 = vector.load %arg0[%get3A, %get3A_0, %get3A_1] : memref<2x5008x128xf32, #tpu.memory_space<vmem>>, vector<1x5000x128xf32>
    %get3A_3 = vector.shape_cast %get3A_2 : vector<1x5000x128xf32> to vector<5000x128xf32>
    %get3A_4 = arith.constant 1 : index
    %get3A_5 = arith.constant 0 : index
    %get3A_6 = arith.constant 0 : index
    %get3A_7 = vector.load %arg0[%get3A_4, %get3A_5, %get3A_6] : memref<2x5008x128xf32, #tpu.memory_space<vmem>>, vector<1x5000x128xf32>
    %get3A_8 = vector.shape_cast %get3A_7 : vector<1x5000x128xf32> to vector<5000x128xf32>
    %concatenate3A = tpu.concatenate %get3A_3, %get3A_8 in 0 : vector<5000x128xf32>, vector<5000x128xf32> -> vector<10000x128xf32>
    %max3A = arith.constant 0.000000e+00 : f32
    %max3A_9 = vector.broadcast %max3A : f32 to vector<10000x128xf32>
    %max3A_10 = arith.maximumf %concatenate3A, %max3A_9 : vector<10000x128xf32>
    %swap3A = arith.constant 0 : index
    %swap3A_11 = arith.constant 0 : index
    %swap3A_12 = vector.load %arg1[%swap3A, %swap3A_11] : memref<10000x128xf32, #tpu.memory_space<vmem>>, vector<10000x128xf32>
    tpu.vector_store %arg1[%swap3A, %swap3A_11], %max3A_10 {strides = array<i32>} : memref<10000x128xf32, #tpu.memory_space<vmem>>, vector<10000x128xf32>,
    return
  }
}

</mosaic_0001>

<sc_bundles>
// kernel: kernel.5.cloned.1.call-start
scs
__scs_entry_jumppad:
0x0: {  	(pc) =	sbr.rel $0x88, $3  }
0x1: {  	(tag) =	ssettag $0x0;
	lr =	simm.s32 $0x1  }
0x2: {  	[smem:$0x3F9D] =	sst lr;
	_ =	strace $0xD0000000  }
0x3: {  	_ = 	snop  }
0x4: {  	_ = 	snop  }
0x5: {  	_ = 	snop  }
0x6: {  	_ = 	snop  }
0x7: {  	_ = 	snop  }
__scs_overlays_trampoline_lowered:
0x8: {  	[smem:$0x3FAC] =	sst s0  }
0x9: {  	[smem:$0x3FAD] =	sst s1  }
0xa: {  	[smem:$0x3FAE] =	sst s2  }
0xb: {  	[smem:$0x3FAF] =	sst s3  }
0xc: {  	[smem:$0x3FB0] =	sst s4  }
0xd: {  	[smem:$0x3FB1] =	sst s5  }
0xe: {  	[smem:$0x3FB2] =	sst s6  }
0xf: {  	[smem:$0x3FB3] =	sst s7  }
0x10: {  	[smem:$0x3FB4] =	sst s8  }
0x11: {  	[smem:$0x3FB5] =	sst s9;
	s0 =	simm.s32 @!p0 $0x0  }
0x12: {  	s1 =	sld [smem:$0x3F9B];
	s0 =	simm.s32 @p0 $0x1  }
0x13: {  	[smem:$0x3FB6] =	sst s0;
	s0 =	simm.s32 @!p1 $0x0  }
0x14: {  	s2 =	sld [smem:$0x3F9A];
	s0 =	simm.s32 @p1 $0x1  }
0x15: {  	[smem:$0x3FB7] =	sst s0;
	s0 =	simm.s32 @!p2 $0x0  }
0x16: {  	s3 =	sld [smem:$0x3FDB];
	s0 =	simm.s32 @p2 $0x1  }
0x17: {  	s4 =	simm.s32 $0x1BF5;
	[smem:$0x3FB9] =	sst s0  }
0x18: {  	s0 =	sld [smem:$0x3F9C];
	_ =	swait.ge [sflag:s4], $0x0  }
0x19: {  	s7 =	sld [smem:$0x3F9D]  }
0x1a: {  	s8 =	sadd.s32 $0xFFFFE003, lr  }
0x1b: {  	s9 =	sadd.s32 $0xFFFFFEF7, lr;
	s5 =	simm.s32 $0xFFFFFFFF;
	p2 =	slt.u32 s8, $0xFFFFF086  }
0x1c: {  	p1 =	slt.u32 s9, $0xF7A;
	s5 =	simm.s32 @!p2 $0x0  }
0x1d: {  	s5 =	simm.s32 @p1 $0x1;
	p0 =	seq.s32 s7, s2  }
0x1e: {  	s7 =	smul.u32 @!p0 $0xF7A, s2;
	p2 =	seq.s32 @!p0 s5, $0x0  }
0x1f: {  	s9 =	smul.u32 $0xF7A, s1;
	s8 =	simm.s32 @!p0 $0x1BF5;
	p2 =	por !p2, p0  }
0x20: {  	[sflag:s8] =	ssyncset.s32 @!p0 $0xFFFFF086;
	s6 =	sadd.s32 @!p0 s3, s7;
	s7 =	simm.s32 @!p0 $0x108  }
0x21: {  	s3 =	sadd.s32 s3, s9;
	s6 =	sadd.s32 @!p0 $0x88, s6;
	s7 =	simm.s32 @p2 $0x1082  }
0x22: {  	[simem:s7], [sflag:s8] =	dma.local @!p0 [hbm:s6], $0xF7A  }
0x23: {  	s9 =	sor.u32 $0xD0000000, s2;
	s6 =	simm.s32 $0x108;
	_ =	swait.ge @!p0 [sflag:s8], $0x0  }
0x24: {  	s3 =	sadd.s32 $0x88, s3;
	s6 =	simm.s32 @!p1 $0x1082;
	[sflag:s4] =	ssyncset.s32 $0xFFFFF086  }
0x25: {  	[simem:s6], [sflag:s4] =	dma.local [hbm:s3], $0xF7A  }
0x26: {  	[smem:$0x3F9D] =	sst s1;
	(tag) =	ssettag s2;
	_ =	strace s9  }
0x27: {  	s1 =	sld [smem:$0x3FAD]  }
0x28: {  	s2 =	sld [smem:$0x3FAE]  }
0x29: {  	s4 =	sld [smem:$0x3FB0]  }
0x2a: {  	p0 =	seq.s32 s5, $0x0;
	s5 =	sld [smem:$0x3FB1]  }
0x2b: {  	s6 =	sld [smem:$0x3FB2]  }
0x2c: {  	s7 =	sld [smem:$0x3FB3]  }
0x2d: {  	s3 =	simm.s32 $0x108;
	s8 =	sld [smem:$0x3FB4]  }
0x2e: {  	s3 =	simm.s32 @!p0 $0x1082;
	s9 =	sld [smem:$0x3FB5]  }
0x2f: {  	lr =	sadd.s32 s0, s3;
	s0 =	sld [smem:$0x3FAC]  }
0x30: {  	s3 =	sld [smem:$0x3FAF]  }
0x31: {  	[smem:$0x3FB8] =	sst s10  }
0x32: {  	s10 =	sld [smem:$0x3FB6];
	_ =	sdelay $0x3  }
0x33: {  	p0 =	seq.s32 s10, $0x1;
	s10 =	sld [smem:$0x3FB8];
	_ =	sdelay $0x3  }
0x34: {  	[smem:$0x3FB8] =	sst s10  }
0x35: {  	s10 =	sld [smem:$0x3FB7];
	_ =	sdelay $0x3  }
0x36: {  	p1 =	seq.s32 s10, $0x1;
	s10 =	sld [smem:$0x3FB8];
	_ =	sdelay $0x3  }
0x37: {  	[smem:$0x3FB8] =	sst s10  }
0x38: {  	s10 =	sld [smem:$0x3FB9]  }
0x39: {  	_ = 	snop;
	(pc) =	sbr.ind lr, $3  }
0x3a: {  	_ = 	snop  }
0x3b: {  	_ = 	snop  }
0x3c: {  	p2 =	seq.s32 s10, $0x1;
	s10 =	sld [smem:$0x3FB8]  }
0x3d: {  	_ =	shalt  }
0x3e: {  	_ =	shalt  }
0x3f: {  	_ =	shalt  }
0x40: {  	_ =	shalt  }
0x41: {  	_ =	shalt  }
0x42: {  	_ =	shalt  }
0x43: {  	_ =	shalt  }
0x44: {  	_ =	shalt  }
0x45: {  	_ =	shalt  }
0x46: {  	_ =	shalt  }
0x47: {  	_ =	shalt  }
0x48: {  	_ =	shalt  }
0x49: {  	_ =	shalt  }
0x4a: {  	_ =	shalt  }
0x4b: {  	_ =	shalt  }
0x4c: {  	_ =	shalt  }
0x4d: {  	_ =	shalt  }
0x4e: {  	_ =	shalt  }
0x4f: {  	_ =	shalt  }
0x50: {  	_ =	shalt  }
0x51: {  	_ =	shalt  }
0x52: {  	_ =	shalt  }
0x53: {  	_ =	shalt  }
0x54: {  	_ =	shalt  }
0x55: {  	_ =	shalt  }
0x56: {  	_ =	shalt  }
0x57: {  	_ =	shalt  }
0x58: {  	_ =	shalt  }
0x59: {  	_ =	shalt  }
0x5a: {  	_ =	shalt  }
0x5b: {  	_ =	shalt  }
0x5c: {  	_ =	shalt  }
0x5d: {  	_ =	shalt  }
0x5e: {  	_ =	shalt  }
0x5f: {  	_ =	shalt  }
0x60: {  	_ =	shalt  }
0x61: {  	_ =	shalt  }
0x62: {  	_ =	shalt  }
0x63: {  	_ =	shalt  }
0x64: {  	_ =	shalt  }
0x65: {  	_ =	shalt  }
0x66: {  	_ =	shalt  }
0x67: {  	_ =	shalt  }
0x68: {  	_ =	shalt  }
0x69: {  	_ =	shalt  }
0x6a: {  	_ =	shalt  }
0x6b: {  	_ =	shalt  }
0x6c: {  	_ =	shalt  }
0x6d: {  	_ =	shalt  }
0x6e: {  	_ =	shalt  }
0x6f: {  	_ =	shalt  }
0x70: {  	_ =	shalt  }
0x71: {  	_ =	shalt  }
0x72: {  	_ =	shalt  }
0x73: {  	_ =	shalt  }
0x74: {  	_ =	shalt  }
0x75: {  	_ =	shalt  }
0x76: {  	_ =	shalt  }
0x77: {  	_ =	shalt  }
0x78: {  	_ =	shalt  }
0x79: {  	_ =	shalt  }
0x7a: {  	_ =	shalt  }
0x7b: {  	_ =	shalt  }
0x7c: {  	_ =	shalt  }
0x7d: {  	_ =	shalt  }
0x7e: {  	_ =	shalt  }
0x7f: {  	_ =	shalt  }
0x80: {  	_ =	shalt  }
0x81: {  	_ =	shalt  }
0x82: {  	_ =	shalt  }
0x83: {  	_ =	shalt  }
0x84: {  	_ =	shalt  }
0x85: {  	_ =	shalt  }
0x86: {  	_ =	shalt  }
0x87: {  	_ =	shalt  }
.Lfunc_end0:
.L_simem_size_0:
called_computation_lowered:
.L_overlay_start_0:
0x88: {  	s2 =	sld [smem:$0x3FD9]  }
0x89: {  	s3 =	sld [smem:$0x3FFE];
	_ =	sdelay $0x1  }
0x8a: {  	s1 =	srdreg.scid  }
0x8b: {  	s0 =	sand.u32 $0x1, s1  }
0x8c: {  	s17 =	sshll.u32 s0, $0xA;
	s2 =	sadd.s32 s3, s2  }
0x8d: {  	s2 =	sadd.s32 s2, s17  }
0x8e: {  	[smem:$0x3FC4] =	sst s2  }
0x8f: {  	_ = 	snop  }
0x90: {  	s2 =	sld [smem:$0x3FD0];
	(tm) =	ssettm $0x1  }
0x91: {  	s18 =	sld [smem:$0x3FFB];
	_ =	sdelay $0x3  }
0x92: {  	_ =	strace s18  }
0x93: {  	s3 =	sld [smem:$0x3FFC];
	_ =	sdelay $0x3  }
0x94: {  	_ =	strace s3  }
0x95: {  	s3 =	sld [smem:$0x3FFD];
	_ =	sdelay $0x3  }
0x96: {  	_ =	strace s3  }
0x97: {  	_ =	strace $0x8FFFFFFF  }
0x98: {  	s19 =	sld [smem:$0x3FDB];
	_ =	sdelay $0x1  }
0x99: {  	s4 =	simm.s32 $_scs_section_size  }
0x9a: {  	s5 =	simm.s32 $_size__tile_overlayer_lowered;
	s6 =	simm.s32 $_tile_overlayer_lowered  }
0x9b: {  	s22 =	simm.s32 $0x1BFF;
	s21 =	sshll.u32 s6, $0x1;
	s3 =	sadd.s32 s4, s19  }
0x9c: {  	s7 =	simm.s32 $0x0;
	s20 =	sshll.u32 s5, $0x1;
	s5 =	sadd.s32 s21, s3  }
0x9d: {  	[timem:s7], [sflag:s22] =	dma.local [hbm:s5], s20  }
0x9e: {  	_ =	swait.ge [sflag:s22], s20  }
0x9f: {  	s4 =	ssub.s32 $0x0, s20;
	[sflag:s22] =	ssyncset.done $0x0  }
0xa0: {  	[sflag:s22] =	ssyncadd.s32 s4;
	_ =	sdelay $0x1  }
0xa1: {  	s23 =	simm.s32 $0x1B8B  }
0xa2: {  	_ =	swait.ge [sflag:s23], $0x1  }
0xa3: {  	[sflag:s23] =	ssyncset.done $0x0  }
0xa4: {  	s25 =	simm.s32 $0x1B8E;
	s24 =	sld [smem:$0x3FFE];
	[sflag:s23] =	ssyncadd.s32 $0xFFFFFFFF  }
0xa5: {  	s26 =	simm.s32 $execute0_lowered;
	[smem:$0x3FD2] =	sst s25  }
0xa6: {  	s5 =	sshll.u32 s26, $0x1;
	_ =	strace $0x80000046;
	[dreg:$0x1] =	wrdreg $0xFFFFFFFF  }
0xa7: {  	s28 =	simm.s32 $_size_execute0_lowered;
	s3 =	sadd.s32 s3, s5;
	[dreg:$0x0] =	wrdreg $0x0  }
0xa8: {  	s5 =	sshll.u32 s28, $0x1;
	[dreg:$0x2] =	wrdreg s3  }
0xa9: {  	[dreg:$0x3] =	wrdreg s5  }
0xaa: {  	[dreg:$0x4] =	wrdreg $0xC0  }
0xab: {  	_ =	task [dreg:s7], $0x5FFFF  }
0xac: {  	[dreg:$0x1] =	wrdreg $0xFFFFFFFF  }
0xad: {  	[dreg:$0x0] =	wrdreg $0x60  }
0xae: {  	[dreg:$0x2] =	wrdreg s2  }
0xaf: {  	[dreg:$0x3] =	wrdreg s24  }
0xb0: {  	[dreg:$0x4] =	wrdreg $0x0  }
0xb1: {  	[dreg:$0x5] =	wrdreg $0x138800  }
0xb2: {  	[dreg:$0x6] =	wrdreg $0x9  }
0xb3: {  	_ =	task.clear_ibuf [dreg:s7], $0x7FFFF;
	_ =	strace $0x90000046  }
0xb4: {  	s29 =	simm.s32 $0x9;
	_ =	strace $0x80000048  }
0xb5: {  	_ =	swait.ge [sflag:s29], $0x1  }
0xb6: {  	[sflag:s29] =	ssyncadd.s32 $0xFFFFFFFF  }
0xb7: {  	_ =	strace $0x90000048  }
0xb8: {  	_ =	sfence  }
0xb9: {  	s30 =	sld [smem:$0x0];
	_ =	sdelay $0x2  }
0xba: {  	s31 =	sshll.u32 s1, $0xD;
	s1 =	sshrl.u32 s1, $0x2  }
0xbb: {  	s3 =	sand.u32 $0x4000, s31;
	s1 =	sadd.s32 s1, s30  }
0xbc: {  	s0 =	sor.u32 s3, s0;
	s1 =	sshll.u32 s1, $0x11  }
0xbd: {  	s0 =	sor.u32 s1, s0  }
0xbe: {  	s0 =	sadd.s32 $0x8F2B, s0  }
0xbf: {  	[sflag:s0] =	ssyncadd.remote.s32 $0x1  }
0xc0: {  	_ =	sfence.sel $0xFFFF  }
0xc1: {  	[dreg:$0x0] =	wrdreg $0xFFFFFFFF;
	(pc) =	sbr.abs _section_cstart, $3  }
0xc2: {  	[dreg:$0x1] =	wrdreg $0xFFFFFFFF  }
0xc3: {  	_ =	task.clear_ibuf [dreg:s7], $0x2FFFF;
	_ =	strace $0x9FFFFFFF  }
0xc4: {  	(tm) =	ssettm $0x7FFFFFFF  }
0xc5: {  	_ =	shalt  }
tec
execute0_lowered:
.L_overlay_start_1:
0x0: {  	(tag) =	ssettag $0x1  }
0x1: {  	s0 =	rddreg [dreg:$0x0]  }
0x2: {  	s5 =	rddreg [dreg:$0x1]  }
0x3: {  	s1 =	rddreg [dreg:$0x2]  }
0x4: {  	s2 =	rddreg [dreg:$0x3]  }
0x5: {  	s8 =	stileid.u32;
	s3 =	srdreg.scid;
	s28 =	simm.s32 $0x1  }
0x6: {  	s29 =	simm.s32 $0x20;
	s30 =	simm.s32 $0x1EB00;
	s4 =	smul.u32 $0x140, s8  }
0x7: {  	s31 =	simm.s32 $0x2;
	s6 =	sand.u32 $0x1, s3;
	s11 =	smul.u32 $0x4E000, s8  }
0x8: {  	s3 =	simm.s32 $0x0;
	s12 =	smul.u32 $0x2700, s8;
	s23 =	sshll.u32 s8, $0x6  }
0x9: {  	p0 =	sne.s32 s8, $0x0;
	s7 =	smul.u32 $0x9C800, s6;
	[smem:$0x7FF] =	sst s3  }
0xa: {  	s10 =	ssub.s32 $0x2, s6;
	s19 =	smul.u32 $0x1388, s6;
	s4 =	smin.u32 s4, $0x1250  }
0xb: {  	_ =	strace $0x80000047;
	s20 =	sshrl.u32 s10, $0x1;
	s22 =	sadd.s32 s0, s12  }
0xc: {  	s21 =	sshrl.u32 s11, $0x2;
	s0 =	sadd.s32 $0x27000, s0;
	[dreg:$0x9] =	wrdreg s22  }
0xd: {  	s11 =	sadd.s32 s21, s1;
	[dreg:$0xc] =	wrdreg s0;
	s21 =	simm.s32 $0x1D520  }
0xe: {  	s9 =	sshll.u32 s4, $0x7;
	s22 =	simm.s32 $0x1D700;
	[dreg:$0x5] =	wrdreg s21  }
0xf: {  	s12 =	sadd.s32 $0x138000, s1;
	s24 =	sadd.s32 s9, s2;
	[dreg:$0x6] =	wrdreg s22  }
0x10: {  	s4 =	sadd.s32 $0xC00, s5;
	s25 =	sadd.s32 $0x1000, s24;
	[dreg:$0xb] =	wrdreg s24  }
0x11: {  	s10 =	ssub.s32 s10, s20;
	s26 =	sadd.s32 $0x2000, s24;
	[dreg:$0xd] =	wrdreg s25  }
0x12: {  	s7 =	sadd.s32 s7, s9;
	s9 =	sadd.s32 $0x3000, s24;
	[dreg:$0xe] =	wrdreg s26  }
0x13: {  	v0 =	vmov s19;
	s19 =	simm.s32 $0x1DA00;
	s13 =	sadd.s32 $0x4000, s24;
	[dreg:$0xf] =	wrdreg s9  }
0x14: {  	s21 =	simm.s32 $0x0;
	s14 =	sadd.s32 $0x5000, s24;
	[dreg:$0x10] =	wrdreg s13  }
0x15: {  	s7 =	sshrl.u32 s7, $0x3;
	s15 =	sadd.s32 $0x6000, s24;
	[dreg:$0x11] =	wrdreg s14  }
0x16: {  	s16 =	sadd.s32 $0x7000, s24;
	s17 =	sadd.s32 $0x8000, s24;
	[dreg:$0x12] =	wrdreg s15  }
0x17: {  	s18 =	sadd.s32 $0x9000, s24;
	s24 =	simm.s32 $0x1D540;
	[dreg:$0x13] =	wrdreg s16  }
0x18: {  	s5 =	sadd.s32 s7, s5;
	s7 =	sor.u32 $0x1C06, s23;
	[dreg:$0x14] =	wrdreg s17  }
0x19: {  	s13 =	smul.u32 $0xA000, s8;
	[dreg:$0x15] =	wrdreg s18;
	s23 =	smax.u32 s10, $0x1  }
0x1a: {  	s25 =	sshrl.u32 s11, $0x3;
	[dreg:$0x7] =	wrdreg s24;
	s26 =	simm.s32 $0x1D780  }
0x1b: {  	s8 =	simm.s32 $0x5;
	s9 =	simm.s32 $0x1D560;
	s10 =	simm.s32 $0x1D800  }
0x1c: {  	s11 =	simm.s32 $0x1D580;
	s14 =	simm.s32 $0x1D5A0;
	s15 =	simm.s32 $0x1D900  }
0x1d: {  	s16 =	simm.s32 $0x1D5C0;
	s17 =	simm.s32 $0x1D980;
	[dreg:$0x18] =	wrdreg s23  }
0x1e: {  	s18 =	simm.s32 $0x1D5E0;
	s5 =	sadd.s32 $0x14C00, s5;
	[dreg:$0x19] =	wrdreg s25  }
0x1f: {  	[dreg:$0x8] =	wrdreg s26;
	s23 =	simm.s32 $0x6;
	s25 =	simm.s32 $0x1DB00  }
0x20: {  	s26 =	simm.s32 $0x1D500;
	[dreg:$0xa] =	wrdreg s7;
	s20 =	sshrl.u32 s13, $0x3  }
0x21: {  	[dreg:$0x17] =	wrdreg s5;
	s5 =	simm.s32 $0x3;
	s0 =	sadd.s32 s4, s20  }
0x22: {  	s20 =	simm.s32 $0x1DA80;
	[dreg:$0x16] =	wrdreg s0;
	s0 =	sshrl.u32 @!p0 s12, $0x3  }
0x23: {  	v1 =	vimm.f32 $0.0e+00;
	s12 =	simm.s32 $0x1D880;
	[dreg:$0x1a] =	wrdreg s0;
	s0 =	simm.s32 $0x4  }
.LBB2_1:
0x24: {  	s6 =	rddreg [dreg:$0x9]  }
0x25: {  	s22 =	rddreg [dreg:$0x19]  }
0x26: {  	[spmem:s22], [sflag:s7] =	dma.local [hbm:s6], $0x2700  }
0x27: {  	_ =	swait.ge [sflag:s23], $0x2700  }
0x28: {  	[sflag:s23] =	ssyncset.done $0x0;
	s6 =	rddreg [dreg:$0xc]  }
0x29: {  	s22 =	rddreg [dreg:$0x1a];
	[sflag:s23] =	ssyncadd.s32 $0xFFFFD900  }
0x2a: {  	[spmem:s22], [sflag:s7] =	dma.local @!p0 [hbm:s6], $0x100  }
0x2b: {  	s22 =	simm.s32 @!p0 $0x6  }
0x2c: {  	_ =	swait.ge @!p0 [sflag:s22], $0x100  }
0x2d: {  	[sflag:s22] =	ssyncset.done @!p0 $0x0  }
0x2e: {  	s24 =	simm.s32 $0x200;
	[sflag:s22] =	ssyncadd.s32 @!p0 $0xFFFFFF00;
	s22 =	simm.s32 $0x0  }
.LBB2_2:
0x2f: {  	p1 =	sne.s32 s24, $0x3E00;
	[tilespmem:s22+$0x1DB70] =	vst v1  }
0x30: {  	[tilespmem:s22+$0x1DB00] =	vst v1  }
0x31: {  	[tilespmem:s22+$0x1DB10] =	vst v1  }
.Ltmp0:
0x32: {  	[tilespmem:s22+$0x1DB20] =	vst v1;
	(pc) =	sbr.rel @p1 .LBB2_2-.Ltmp0, $4  }
0x33: {  	[tilespmem:s22+$0x1DB30] =	vst v1  }
0x34: {  	[tilespmem:s22+$0x1DB40] =	vst v1  }
0x35: {  	[tilespmem:s22+$0x1DB50] =	vst v1  }
0x36: {  	[tilespmem:s22+$0x1DB60] =	vst v1;
	s22 =	sshra.s32 s24, $0x2;
	s24 =	sadd.s32 $0x200, s24  }
0x37: {  	[tilespmem:s22+$0x1DB70] =	vst v1  }
0x38: {  	[tilespmem:s22+$0x1DB00] =	vst v1  }
0x39: {  	[tilespmem:s22+$0x1DB10] =	vst v1  }
0x3a: {  	[tilespmem:s22+$0x1DB20] =	vst v1  }
0x3b: {  	[tilespmem:s22+$0x1DB30] =	vst v1  }
0x3c: {  	[tilespmem:s22+$0x1DB40] =	vst v1  }
0x3d: {  	[tilespmem:s22+$0x1DB50] =	vst v1  }
0x3e: {  	[tilespmem:s22+$0x1DB60] =	vst v1;
	s6 =	rddreg [dreg:$0xb]  }
0x3f: {  	[spmem:s6] =	stream.linear.scatter [tilespmem:s25], [sflag:$0x6], $0x1000, $0x38;
	[tilespmem:$0x1FB00] =	vst v63  }
0x40: {  	_ =	swait.ge [sflag:s23], $0x1000  }
0x41: {  	[sflag:s23] =	ssyncset.done $0x0  }
0x42: {  	s22 =	rddreg [dreg:$0xd];
	[sflag:s23] =	ssyncadd.s32 $0xFFFFF000  }
0x43: {  	[spmem:s22] =	stream.linear.scatter [tilespmem:s25], [sflag:$0x6], $0x1000, $0x38;
	[tilespmem:$0x1FB00] =	vst v63  }
0x44: {  	_ =	swait.ge [sflag:s23], $0x1000  }
0x45: {  	[sflag:s23] =	ssyncset.done $0x0  }
0x46: {  	s24 =	rddreg [dreg:$0xe];
	[sflag:s23] =	ssyncadd.s32 $0xFFFFF000  }
0x47: {  	[spmem:s24] =	stream.linear.scatter [tilespmem:s25], [sflag:$0x6], $0x1000, $0x38;
	[tilespmem:$0x1FB00] =	vst v63  }
0x48: {  	_ =	swait.ge [sflag:s23], $0x1000  }
0x49: {  	[sflag:s23] =	ssyncset.done $0x0  }
0x4a: {  	s7 =	rddreg [dreg:$0xf];
	[sflag:s23] =	ssyncadd.s32 $0xFFFFF000  }
0x4b: {  	[spmem:s7] =	stream.linear.scatter [tilespmem:s25], [sflag:$0x6], $0x1000, $0x38;
	[tilespmem:$0x1FB00] =	vst v63  }
0x4c: {  	_ =	swait.ge [sflag:s23], $0x1000  }
0x4d: {  	[sflag:s23] =	ssyncset.done $0x0  }
0x4e: {  	s22 =	rddreg [dreg:$0x10];
	[sflag:s23] =	ssyncadd.s32 $0xFFFFF000  }
0x4f: {  	[spmem:s22] =	stream.linear.scatter [tilespmem:s25], [sflag:$0x6], $0x1000, $0x38;
	[tilespmem:$0x1FB00] =	vst v63  }
0x50: {  	_ =	swait.ge [sflag:s23], $0x1000  }
0x51: {  	[sflag:s23] =	ssyncset.done $0x0  }
0x52: {  	s24 =	rddreg [dreg:$0x11];
	[sflag:s23] =	ssyncadd.s32 $0xFFFFF000  }
0x53: {  	[spmem:s24] =	stream.linear.scatter [tilespmem:s25], [sflag:$0x6], $0x1000, $0x38;
	[tilespmem:$0x1FB00] =	vst v63  }
0x54: {  	_ =	swait.ge [sflag:s23], $0x1000  }
0x55: {  	[sflag:s23] =	ssyncset.done $0x0  }
0x56: {  	s7 =	rddreg [dreg:$0x12];
	[sflag:s23] =	ssyncadd.s32 $0xFFFFF000  }
0x57: {  	[spmem:s7] =	stream.linear.scatter [tilespmem:s25], [sflag:$0x6], $0x1000, $0x38;
	[tilespmem:$0x1FB00] =	vst v63  }
0x58: {  	_ =	swait.ge [sflag:s23], $0x1000  }
0x59: {  	[sflag:s23] =	ssyncset.done $0x0  }
0x5a: {  	s22 =	rddreg [dreg:$0x13];
	[sflag:s23] =	ssyncadd.s32 $0xFFFFF000  }
0x5b: {  	[spmem:s22] =	stream.linear.scatter [tilespmem:s25], [sflag:$0x6], $0x1000, $0x38;
	[tilespmem:$0x1FB00] =	vst v63  }
0x5c: {  	_ =	swait.ge [sflag:s23], $0x1000  }
0x5d: {  	[sflag:s23] =	ssyncset.done $0x0  }
0x5e: {  	s24 =	rddreg [dreg:$0x14];
	[sflag:s23] =	ssyncadd.s32 $0xFFFFF000  }
0x5f: {  	[spmem:s24] =	stream.linear.scatter [tilespmem:s25], [sflag:$0x6], $0x1000, $0x38;
	[tilespmem:$0x1FB00] =	vst v63  }
0x60: {  	_ =	swait.ge [sflag:s23], $0x1000  }
0x61: {  	[sflag:s23] =	ssyncset.done $0x0  }
0x62: {  	s7 =	rddreg [dreg:$0x15];
	[sflag:s23] =	ssyncadd.s32 $0xFFFFF000  }
0x63: {  	[spmem:s7] =	stream.linear.scatter [tilespmem:s25], [sflag:$0x6], $0x1000, $0x38;
	[tilespmem:$0x1FB00] =	vst v63  }
0x64: {  	_ =	swait.ge [sflag:s23], $0x1000  }
0x65: {  	[sflag:s23] =	ssyncset.done $0x0  }
0x66: {  	[sflag:s23] =	ssyncadd.s32 $0xFFFFF000  }
0x67: {  	[bflag:$0x0] =	sbarrier.arrive $0xFFFF  }
0x68: {  	s22 =	rddreg [dreg:$0x16]  }
0x69: {  	[tilespmem:s26], [sflag:$0x1] =	stream.linear.gather [hbm4b:s22+s3], $0x200, $0x38;
	[tilespmem:$0x1FB00] =	vst v63  }
0x6a: {  	_ =	swait.ge [sflag:s28], $0x200  }
0x6b: {  	[sflag:s28] =	ssyncset.done $0x0  }
0x6c: {  	[sflag:s28] =	ssyncadd.s32 $0xFFFFFE00  }
0x6d: {  	v2 =	vld [tilespmem:$0x1D6F0]  }
0x6e: {  	v3 =	vld [tilespmem:$0x1D6D0]  }
0x6f: {  	v5 =	vld [tilespmem:$0x1D6C0]  }
0x70: {  	v6 =	vld [tilespmem:$0x1D6B0]  }
0x71: {  	v4 =	vld [tilespmem:$0x1D6E0]  }
0x72: {  	v7 =	vld [tilespmem:$0x1D6A0];
	v2 =	vsub.s32 v2, v0  }
0x73: {  	v8 =	vld [tilespmem:$0x1D690];
	v3 =	vsub.s32 v3, v0;
	v2 =	vmin.u32 v2, $0x1388  }
0x74: {  	v9 =	vld [tilespmem:$0x1D680];
	v5 =	vsub.s32 v5, v0;
	v3 =	vmin.u32 v3, $0x1388;
	[tilespmem:$0x1DA90] =	vst v2  }
0x75: {  	v56 =	vld [tilespmem:$0x1D660];
	v6 =	vsub.s32 v6, v0;
	v5 =	vmin.u32 v5, $0x1388;
	[tilespmem:$0x1DA10] =	vst v3  }
0x76: {  	v58 =	vld [tilespmem:$0x1D630];
	v4 =	vsub.s32 v4, v0;
	v6 =	vmin.u32 v6, $0x1388;
	[tilespmem:$0x1DA00] =	vst v5  }
0x77: {  	v7 =	vsub.s32 v7, v0;
	v2 =	vld [tilespmem:$0x1D670];
	v3 =	vmin.u32 v4, $0x1388;
	[tilespmem:$0x1D990] =	vst v6  }
0x78: {  	v8 =	vsub.s32 v8, v0;
	v7 =	vmin.u32 v7, $0x1388;
	[tilespmem:$0x1DA80] =	vst v3;
	v3 =	vld [tilespmem:$0x1D650]  }
0x79: {  	v57 =	vld [tilespmem:$0x1D640];
	v9 =	vsub.s32 v9, v0;
	v8 =	vmin.u32 v8, $0x1388;
	[tilespmem:$0x1D980] =	vst v7  }
0x7a: {  	v59 =	vld [tilespmem:$0x1D620];
	v9 =	vmin.u32 v9, $0x1388;
	[tilespmem:$0x1D910] =	vst v8;
	v4 =	vsub.s32 v56, v0  }
0x7b: {  	v60 =	vld [tilespmem:$0x1D610];
	v62 =	vsub.s32 v58, v0;
	[tilespmem:$0x1D900] =	vst v9;
	v4 =	vmin.u32 v4, $0x1388  }
0x7c: {  	v61 =	vld [tilespmem:$0x1D600];
	[tilespmem:$0x1D880] =	vst v4;
	v4 =	vmin.u32 v62, $0x1388;
	v2 =	vsub.s32 v2, v0  }
0x7d: {  	[tilespmem:$0x1D790] =	vst v4;
	v2 =	vmin.u32 v2, $0x1388;
	v3 =	vsub.s32 v3, v0  }
0x7e: {  	[tilespmem:$0x1D890] =	vst v2;
	v2 =	vsub.s32 v57, v0;
	v3 =	vmin.u32 v3, $0x1388  }
0x7f: {  	v2 =	vmin.u32 v2, $0x1388;
	[tilespmem:$0x1D810] =	vst v3;
	v3 =	vsub.s32 v59, v0  }
0x80: {  	[tilespmem:$0x1D800] =	vst v2;
	v2 =	vsub.s32 v60, v0;
	v3 =	vmin.u32 v3, $0x1388  }
0x81: {  	v63 =	vsub.s32 v61, v0;
	v2 =	vmin.u32 v2, $0x1388;
	[tilespmem:$0x1D780] =	vst v3  }
0x82: {  	v3 =	vmin.u32 v63, $0x1388;
	[tilespmem:$0x1D710] =	vst v2  }
0x83: {  	[tilespmem:$0x1D700] =	vst v3  }
0x84: {  	[tilespmem:s25], [sflag:$0x2] =	stream.indirect.gather [spmem:s1], $0x80, s26, s29, $0xb8;
	[tilespmem:$0x1FB00] =	vst v63  }
0x85: {  	s24 =	rddreg [dreg:$0x5]  }
0x86: {  	[tilespmem:s30], [sflag:$0x3] =	stream.indirect.gather [spmem:s1], $0x80, s24, s29, $0xb8;
	[tilespmem:$0x1FB00] =	vst v63  }
0x87: {  	_ =	swait.ge [sflag:s31], $0x1000  }
0x88: {  	[sflag:s31] =	ssyncset.done $0x0  }
0x89: {  	s6 =	rddreg [dreg:$0x6];
	[sflag:s31] =	ssyncadd.s32 $0xFFFFF000  }
0x8a: {  	[spmem:s2] =	stream.indirect.scatter.add.f32 [tilespmem:s25], [sflag:$0x4], $0x80, s6, s29, $0xb8;
	[tilespmem:$0x1FB00] =	vst v63  }
0x8b: {  	_ =	swait.ge [sflag:s0], $0x1000  }
0x8c: {  	[sflag:s0] =	ssyncset.done $0x0  }
0x8d: {  	s7 =	rddreg [dreg:$0x7];
	[sflag:s0] =	ssyncadd.s32 $0xFFFFF000  }
0x8e: {  	[tilespmem:s25], [sflag:$0x2] =	stream.indirect.gather [spmem:s1], $0x80, s7, s29, $0xb8;
	[tilespmem:$0x1FB00] =	vst v63  }
0x8f: {  	_ =	swait.ge [sflag:s5], $0x1000  }
0x90: {  	[sflag:s5] =	ssyncset.done $0x0  }
0x91: {  	s24 =	rddreg [dreg:$0x8];
	[sflag:s5] =	ssyncadd.s32 $0xFFFFF000  }
0x92: {  	[spmem:s2] =	stream.indirect.scatter.add.f32 [tilespmem:s30], [sflag:$0x5], $0x80, s24, s29, $0xb8;
	[tilespmem:$0x1FB00] =	vst v63  }
0x93: {  	_ =	swait.ge [sflag:s8], $0x1000  }
0x94: {  	[sflag:s8] =	ssyncset.done $0x0  }
0x95: {  	[sflag:s8] =	ssyncadd.s32 $0xFFFFF000  }
0x96: {  	[tilespmem:s30], [sflag:$0x3] =	stream.indirect.gather [spmem:s1], $0x80, s9, s29, $0xb8;
	[tilespmem:$0x1FB00] =	vst v63  }
0x97: {  	_ =	swait.ge [sflag:s31], $0x1000  }
0x98: {  	[sflag:s31] =	ssyncset.done $0x0  }
0x99: {  	[sflag:s31] =	ssyncadd.s32 $0xFFFFF000  }
0x9a: {  	[spmem:s2] =	stream.indirect.scatter.add.f32 [tilespmem:s25], [sflag:$0x4], $0x80, s10, s29, $0xb8;
	[tilespmem:$0x1FB00] =	vst v63  }
0x9b: {  	_ =	swait.ge [sflag:s0], $0x1000  }
0x9c: {  	[sflag:s0] =	ssyncset.done $0x0  }
0x9d: {  	[sflag:s0] =	ssyncadd.s32 $0xFFFFF000  }
0x9e: {  	[tilespmem:s25], [sflag:$0x2] =	stream.indirect.gather [spmem:s1], $0x80, s11, s29, $0xb8;
	[tilespmem:$0x1FB00] =	vst v63  }
0x9f: {  	_ =	swait.ge [sflag:s5], $0x1000  }
0xa0: {  	[sflag:s5] =	ssyncset.done $0x0  }
0xa1: {  	[sflag:s5] =	ssyncadd.s32 $0xFFFFF000  }
0xa2: {  	[spmem:s2] =	stream.indirect.scatter.add.f32 [tilespmem:s30], [sflag:$0x5], $0x80, s12, s29, $0xb8;
	[tilespmem:$0x1FB00] =	vst v63  }
0xa3: {  	_ =	swait.ge [sflag:s8], $0x1000  }
0xa4: {  	[sflag:s8] =	ssyncset.done $0x0  }
0xa5: {  	[sflag:s8] =	ssyncadd.s32 $0xFFFFF000  }
0xa6: {  	[tilespmem:s30], [sflag:$0x3] =	stream.indirect.gather [spmem:s1], $0x80, s14, s29, $0xb8;
	[tilespmem:$0x1FB00] =	vst v63  }
0xa7: {  	_ =	swait.ge [sflag:s31], $0x1000  }
0xa8: {  	[sflag:s31] =	ssyncset.done $0x0  }
0xa9: {  	[sflag:s31] =	ssyncadd.s32 $0xFFFFF000  }
0xaa: {  	[spmem:s2] =	stream.indirect.scatter.add.f32 [tilespmem:s25], [sflag:$0x4], $0x80, s15, s29, $0xb8;
	[tilespmem:$0x1FB00] =	vst v63  }
0xab: {  	_ =	swait.ge [sflag:s0], $0x1000  }
0xac: {  	[sflag:s0] =	ssyncset.done $0x0  }
0xad: {  	[sflag:s0] =	ssyncadd.s32 $0xFFFFF000  }
0xae: {  	[tilespmem:s25], [sflag:$0x2] =	stream.indirect.gather [spmem:s1], $0x80, s16, s29, $0xb8;
	[tilespmem:$0x1FB00] =	vst v63  }
0xaf: {  	_ =	swait.ge [sflag:s5], $0x1000  }
0xb0: {  	[sflag:s5] =	ssyncset.done $0x0  }
0xb1: {  	[sflag:s5] =	ssyncadd.s32 $0xFFFFF000  }
0xb2: {  	[spmem:s2] =	stream.indirect.scatter.add.f32 [tilespmem:s30], [sflag:$0x5], $0x80, s17, s29, $0xb8;
	[tilespmem:$0x1FB00] =	vst v63  }
0xb3: {  	_ =	swait.ge [sflag:s8], $0x1000  }
0xb4: {  	[sflag:s8] =	ssyncset.done $0x0  }
0xb5: {  	s22 =	simm.s32 $0x1;
	s24 =	simm.s32 $0x2;
	[sflag:s8] =	ssyncadd.s32 $0xFFFFF000  }
0xb6: {  	[tilespmem:s30], [sflag:$0x3] =	stream.indirect.gather [spmem:s1], $0x80, s18, s29, $0xb8;
	[tilespmem:$0x1FB00] =	vst v63  }
.LBB2_4:
0xb7: {  	_ =	swait.ge [sflag:s31], $0x1000  }
0xb8: {  	[sflag:s31] =	ssyncset.done $0x0  }
0xb9: {  	[sflag:s31] =	ssyncadd.s32 $0xFFFFF000  }
0xba: {  	[spmem:s2] =	stream.indirect.scatter.add.f32 [tilespmem:s25], [sflag:$0x4], $0x80, s19, s29, $0xb8;
	[tilespmem:$0x1FB00] =	vst v63  }
0xbb: {  	_ =	swait.ge [sflag:s0], $0x1000  }
0xbc: {  	s6 =	smin.u32 s22, $0x4F;
	[sflag:s0] =	ssyncset.done $0x0  }
0xbd: {  	s6 =	sshll.u32 s6, $0x9;
	[sflag:s0] =	ssyncadd.s32 $0xFFFFF000  }
0xbe: {  	s6 =	sadd.s32 s13, s6;
	_ =	swait.ge [sflag:s5], $0x1000  }
0xbf: {  	s6 =	sshrl.u32 s6, $0x3;
	[sflag:s5] =	ssyncset.done $0x0  }
0xc0: {  	s6 =	sadd.s32 s4, s6;
	[sflag:s5] =	ssyncadd.s32 $0xFFFFF000  }
0xc1: {  	[tilespmem:s26], [sflag:$0x1] =	stream.linear.gather [hbm4b:s6+s3], $0x200, $0x38;
	[tilespmem:$0x1FB00] =	vst v63  }
0xc2: {  	_ = 	snop  }
0xc3: {  	[spmem:s2] =	stream.indirect.scatter.add.f32 [tilespmem:s30], [sflag:$0x5], $0x80, s20, s29, $0xb8;
	[tilespmem:$0x1FB00] =	vst v63  }
0xc4: {  	_ =	swait.ge [sflag:s8], $0x1000  }
0xc5: {  	[sflag:s8] =	ssyncset.done $0x0  }
0xc6: {  	[sflag:s8] =	ssyncadd.s32 $0xFFFFF000  }
0xc7: {  	_ =	swait.ge [sflag:s28], $0x200  }
0xc8: {  	[sflag:s28] =	ssyncset.done $0x0  }
0xc9: {  	[sflag:s28] =	ssyncadd.s32 $0xFFFFFE00  }
0xca: {  	v2 =	vld [tilespmem:$0x1D6F0]  }
0xcb: {  	v3 =	vld [tilespmem:$0x1D6D0]  }
0xcc: {  	v5 =	vld [tilespmem:$0x1D6C0]  }
0xcd: {  	v6 =	vld [tilespmem:$0x1D6B0]  }
0xce: {  	v4 =	vld [tilespmem:$0x1D6E0]  }
0xcf: {  	v7 =	vld [tilespmem:$0x1D6A0];
	v2 =	vsub.s32 v2, v0  }
0xd0: {  	v8 =	vld [tilespmem:$0x1D690];
	v3 =	vsub.s32 v3, v0;
	v2 =	vmin.u32 v2, $0x1388  }
0xd1: {  	v9 =	vld [tilespmem:$0x1D680];
	v5 =	vsub.s32 v5, v0;
	v3 =	vmin.u32 v3, $0x1388;
	[tilespmem:$0x1DA90] =	vst v2  }
0xd2: {  	v56 =	vld [tilespmem:$0x1D660];
	v6 =	vsub.s32 v6, v0;
	v5 =	vmin.u32 v5, $0x1388;
	[tilespmem:$0x1DA10] =	vst v3  }
0xd3: {  	v58 =	vld [tilespmem:$0x1D630];
	v4 =	vsub.s32 v4, v0;
	v6 =	vmin.u32 v6, $0x1388;
	[tilespmem:$0x1DA00] =	vst v5  }
0xd4: {  	v7 =	vsub.s32 v7, v0;
	v2 =	vld [tilespmem:$0x1D670];
	v3 =	vmin.u32 v4, $0x1388;
	[tilespmem:$0x1D990] =	vst v6  }
0xd5: {  	v8 =	vsub.s32 v8, v0;
	v7 =	vmin.u32 v7, $0x1388;
	[tilespmem:$0x1DA80] =	vst v3;
	v3 =	vld [tilespmem:$0x1D650]  }
0xd6: {  	v57 =	vld [tilespmem:$0x1D640];
	v9 =	vsub.s32 v9, v0;
	v8 =	vmin.u32 v8, $0x1388;
	[tilespmem:$0x1D980] =	vst v7  }
0xd7: {  	v59 =	vld [tilespmem:$0x1D620];
	v9 =	vmin.u32 v9, $0x1388;
	[tilespmem:$0x1D910] =	vst v8;
	v4 =	vsub.s32 v56, v0  }
0xd8: {  	v60 =	vld [tilespmem:$0x1D610];
	v62 =	vsub.s32 v58, v0;
	[tilespmem:$0x1D900] =	vst v9;
	v4 =	vmin.u32 v4, $0x1388  }
0xd9: {  	v61 =	vld [tilespmem:$0x1D600];
	[tilespmem:$0x1D880] =	vst v4;
	v4 =	vmin.u32 v62, $0x1388;
	v2 =	vsub.s32 v2, v0  }
0xda: {  	[tilespmem:$0x1D790] =	vst v4;
	v2 =	vmin.u32 v2, $0x1388;
	v3 =	vsub.s32 v3, v0  }
0xdb: {  	[tilespmem:$0x1D890] =	vst v2;
	v2 =	vsub.s32 v57, v0;
	v3 =	vmin.u32 v3, $0x1388  }
0xdc: {  	v2 =	vmin.u32 v2, $0x1388;
	[tilespmem:$0x1D810] =	vst v3;
	v3 =	vsub.s32 v59, v0  }
0xdd: {  	[tilespmem:$0x1D800] =	vst v2;
	v2 =	vsub.s32 v60, v0;
	v3 =	vmin.u32 v3, $0x1388  }
0xde: {  	v63 =	vsub.s32 v61, v0;
	v2 =	vmin.u32 v2, $0x1388;
	[tilespmem:$0x1D780] =	vst v3  }
0xdf: {  	v3 =	vmin.u32 v63, $0x1388;
	[tilespmem:$0x1D710] =	vst v2  }
0xe0: {  	s7 =	smov.u32 s24;
	[tilespmem:$0x1D700] =	vst v3  }
0xe1: {  	[tilespmem:s25], [sflag:$0x2] =	stream.indirect.gather [spmem:s1], $0x80, s26, s29, $0xb8;
	[tilespmem:$0x1FB00] =	vst v63  }
0xe2: {  	s22 =	smov.u32 s7;
	s7 =	rddreg [dreg:$0x5]  }
0xe3: {  	[tilespmem:s30], [sflag:$0x3] =	stream.indirect.gather [spmem:s1], $0x80, s7, s29, $0xb8;
	[tilespmem:$0x1FB00] =	vst v63  }
0xe4: {  	_ =	swait.ge [sflag:s31], $0x1000  }
0xe5: {  	[sflag:s31] =	ssyncset.done $0x0  }
0xe6: {  	s7 =	rddreg [dreg:$0x6];
	[sflag:s31] =	ssyncadd.s32 $0xFFFFF000  }
0xe7: {  	[spmem:s2] =	stream.indirect.scatter.add.f32 [tilespmem:s25], [sflag:$0x4], $0x80, s7, s29, $0xb8;
	[tilespmem:$0x1FB00] =	vst v63  }
0xe8: {  	_ =	swait.ge [sflag:s0], $0x1000  }
0xe9: {  	[sflag:s0] =	ssyncset.done $0x0  }
0xea: {  	s7 =	rddreg [dreg:$0x7];
	[sflag:s0] =	ssyncadd.s32 $0xFFFFF000  }
0xeb: {  	[tilespmem:s25], [sflag:$0x2] =	stream.indirect.gather [spmem:s1], $0x80, s7, s29, $0xb8;
	[tilespmem:$0x1FB00] =	vst v63  }
0xec: {  	_ =	swait.ge [sflag:s5], $0x1000  }
0xed: {  	[sflag:s5] =	ssyncset.done $0x0  }
0xee: {  	s7 =	rddreg [dreg:$0x8];
	[sflag:s5] =	ssyncadd.s32 $0xFFFFF000  }
0xef: {  	[spmem:s2] =	stream.indirect.scatter.add.f32 [tilespmem:s30], [sflag:$0x5], $0x80, s7, s29, $0xb8;
	[tilespmem:$0x1FB00] =	vst v63  }
0xf0: {  	_ =	swait.ge [sflag:s8], $0x1000  }
0xf1: {  	[sflag:s8] =	ssyncset.done $0x0  }
0xf2: {  	[sflag:s8] =	ssyncadd.s32 $0xFFFFF000  }
0xf3: {  	[tilespmem:s30], [sflag:$0x3] =	stream.indirect.gather [spmem:s1], $0x80, s9, s29, $0xb8;
	[tilespmem:$0x1FB00] =	vst v63  }
0xf4: {  	_ =	swait.ge [sflag:s31], $0x1000  }
0xf5: {  	[sflag:s31] =	ssyncset.done $0x0  }
0xf6: {  	[sflag:s31] =	ssyncadd.s32 $0xFFFFF000  }
0xf7: {  	[spmem:s2] =	stream.indirect.scatter.add.f32 [tilespmem:s25], [sflag:$0x4], $0x80, s10, s29, $0xb8;
	[tilespmem:$0x1FB00] =	vst v63  }
0xf8: {  	_ =	swait.ge [sflag:s0], $0x1000  }
0xf9: {  	[sflag:s0] =	ssyncset.done $0x0  }
0xfa: {  	[sflag:s0] =	ssyncadd.s32 $0xFFFFF000  }
0xfb: {  	[tilespmem:s25], [sflag:$0x2] =	stream.indirect.gather [spmem:s1], $0x80, s11, s29, $0xb8;
	[tilespmem:$0x1FB00] =	vst v63  }
0xfc: {  	_ =	swait.ge [sflag:s5], $0x1000  }
0xfd: {  	[sflag:s5] =	ssyncset.done $0x0  }
0xfe: {  	[sflag:s5] =	ssyncadd.s32 $0xFFFFF000  }
0xff: {  	[spmem:s2] =	stream.indirect.scatter.add.f32 [tilespmem:s30], [sflag:$0x5], $0x80, s12, s29, $0xb8;
	[tilespmem:$0x1FB00] =	vst v63  }
0x100: {  	_ =	swait.ge [sflag:s8], $0x1000  }
0x101: {  	[sflag:s8] =	ssyncset.done $0x0  }
0x102: {  	[sflag:s8] =	ssyncadd.s32 $0xFFFFF000  }
0x103: {  	[tilespmem:s30], [sflag:$0x3] =	stream.indirect.gather [spmem:s1], $0x80, s14, s29, $0xb8;
	[tilespmem:$0x1FB00] =	vst v63  }
0x104: {  	_ =	swait.ge [sflag:s31], $0x1000  }
0x105: {  	[sflag:s31] =	ssyncset.done $0x0  }
0x106: {  	[sflag:s31] =	ssyncadd.s32 $0xFFFFF000  }
0x107: {  	[spmem:s2] =	stream.indirect.scatter.add.f32 [tilespmem:s25], [sflag:$0x4], $0x80, s15, s29, $0xb8;
	[tilespmem:$0x1FB00] =	vst v63  }
0x108: {  	_ =	swait.ge [sflag:s0], $0x1000  }
0x109: {  	[sflag:s0] =	ssyncset.done $0x0  }
0x10a: {  	[sflag:s0] =	ssyncadd.s32 $0xFFFFF000  }
0x10b: {  	[tilespmem:s25], [sflag:$0x2] =	stream.indirect.gather [spmem:s1], $0x80, s16, s29, $0xb8;
	[tilespmem:$0x1FB00] =	vst v63  }
0x10c: {  	_ =	swait.ge [sflag:s5], $0x1000  }
0x10d: {  	[sflag:s5] =	ssyncset.done $0x0  }
0x10e: {  	p1 =	sne.s32 s24, $0x50;
	[sflag:s5] =	ssyncadd.s32 $0xFFFFF000  }
0x10f: {  	[spmem:s2] =	stream.indirect.scatter.add.f32 [tilespmem:s30], [sflag:$0x5], $0x80, s17, s29, $0xb8;
	[tilespmem:$0x1FB00] =	vst v63  }
.Ltmp1:
0x110: {  	_ = 	snop;
	(pc) =	sbr.rel @p1 .LBB2_4-.Ltmp1, $4  }
0x111: {  	_ =	swait.ge [sflag:s8], $0x1000  }
0x112: {  	[sflag:s8] =	ssyncset.done $0x0  }
0x113: {  	s24 =	sadd.s32 $0x1, s24;
	[sflag:s8] =	ssyncadd.s32 $0xFFFFF000  }
0x114: {  	[tilespmem:s30], [sflag:$0x3] =	stream.indirect.gather [spmem:s1], $0x80, s18, s29, $0xb8;
	[tilespmem:$0x1FB00] =	vst v63  }
0x115: {  	_ =	swait.ge [sflag:s31], $0x1000  }
0x116: {  	[sflag:s31] =	ssyncset.done $0x0  }
0x117: {  	[sflag:s31] =	ssyncadd.s32 $0xFFFFF000  }
0x118: {  	[spmem:s2] =	stream.indirect.scatter.add.f32 [tilespmem:s25], [sflag:$0x4], $0x80, s19, s29, $0xb8;
	[tilespmem:$0x1FB00] =	vst v63  }
0x119: {  	_ =	swait.ge [sflag:s0], $0x1000  }
0x11a: {  	s6 =	smin.u32 s22, $0x4F;
	[sflag:s0] =	ssyncset.done $0x0  }
0x11b: {  	s6 =	sshll.u32 s6, $0x9;
	[sflag:s0] =	ssyncadd.s32 $0xFFFFF000  }
0x11c: {  	s6 =	sadd.s32 s13, s6;
	_ =	swait.ge [sflag:s5], $0x1000  }
0x11d: {  	s6 =	sshrl.u32 s6, $0x3;
	[sflag:s5] =	ssyncset.done $0x0  }
0x11e: {  	s6 =	sadd.s32 s4, s6;
	[sflag:s5] =	ssyncadd.s32 $0xFFFFF000  }
0x11f: {  	[tilespmem:s26], [sflag:$0x1] =	stream.linear.gather [hbm4b:s6+s3], $0x200, $0x38;
	[tilespmem:$0x1FB00] =	vst v63  }
0x120: {  	_ = 	snop  }
0x121: {  	[spmem:s2] =	stream.indirect.scatter.add.f32 [tilespmem:s30], [sflag:$0x5], $0x80, s20, s29, $0xb8;
	[tilespmem:$0x1FB00] =	vst v63  }
0x122: {  	_ =	swait.ge [sflag:s8], $0x1000  }
0x123: {  	[sflag:s8] =	ssyncset.done $0x0  }
0x124: {  	[sflag:s8] =	ssyncadd.s32 $0xFFFFF000  }
0x125: {  	_ =	swait.ge [sflag:s28], $0x200  }
0x126: {  	[sflag:s28] =	ssyncset.done $0x0  }
0x127: {  	[sflag:s28] =	ssyncadd.s32 $0xFFFFFE00  }
0x128: {  	[bflag:$0x0] =	sbarrier.arrive $0xFFFF  }
0x129: {  	s22 =	rddreg [dreg:$0xb]  }
0x12a: {  	s7 =	rddreg [dreg:$0xa]  }
0x12b: {  	s24 =	rddreg [dreg:$0x17];
	s6 =	sshrl.u32 s22, $0x3  }
0x12c: {  	[hbm:s24], [sflag:s7] =	dma.local [spmem:s6], $0x1400  }
0x12d: {  	_ =	swait.ge [sflag:s23], $0x1400  }
0x12e: {  	s21 =	sadd.s32 $0x1, s21;
	s24 =	rddreg [dreg:$0x18]  }
0x12f: {  	p1 =	sne.s32 s21, s24  }
.Ltmp2:
0x130: {  	_ = 	snop;
	(pc) =	sbr.rel @p1 .LBB2_1-.Ltmp2, $3  }
0x131: {  	_ =	sdelay $0x1  }
0x132: {  	[sflag:s23] =	ssyncset.done $0x0  }
0x133: {  	[sflag:s23] =	ssyncadd.s32 $0xFFFFEC00  }
0x134: {  	_ =	sfence.sel $0x180000  }
0x135: {  	[bflag:$0x0] =	sbarrier.arrive $0xFFFF  }
0x136: {  	_ =	strace $0x90000047  }
0x137: {  	[bflag:$0x2] =	sbarrier.arrive $0xFFFF  }
0x138: {  	s0 =	rddreg [dreg:$0x4]  }
0x139: {  	s0 =	sadd.s32 @!p0 $0x100000, s0  }
0x13a: {  	[sflag:s0] =	ssyncadd.tile.s32 @!p0 $0x1;
	_ =	shalt  }
.Lfunc_end2:
_tile_overlayer_lowered:
.L_overlay_start_2:
0x13b: {  	(tag) =	ssettag $0x2  }
0x13c: {  	s0 =	rddreg [dreg:$0x0];
	s2 =	stileid.u32  }
0x13d: {  	s1 =	rddreg [dreg:$0x1];
	p0 =	sne.s32 s2, $0x0  }
0x13e: {  	s3 =	rddreg [dreg:$0x2];
	[bflag:$0x3] =	sbarrier.arrive $0xFFFF;
	s2 =	simm.s32 @!p0 $0x1C06  }
0x13f: {  	[timem:s3], [sflag:s2] =	dma.local @!p0 [hbm:s0], s1  }
0x140: {  	s0 =	simm.s32 @!p0 $0x6  }
0x141: {  	_ =	swait.ge @!p0 [sflag:s0], s1  }
0x142: {  	s1 =	ssub.s32 @!p0 $0x0, s1;
	[sflag:s0] =	ssyncset.done @!p0 $0x0  }
0x143: {  	[sflag:s0] =	ssyncadd.s32 @!p0 s1  }
0x144: {  	[bflag:$0x3] =	sbarrier.arrive $0xFFFF  }
0x145: {  	_ =	shalt  }

</sc_bundles>
